<compile_context>
chip_gen: v7x
topology: tpu7x:2x2x1
jax: 0.10.2.dev20260603
libtpu: 0.0.44.dev20260713+nightly
codegen_flags: <defaults>
</compile_context>

<pallas_src>
import functools

import jax
import jax.numpy as jnp
from jax import lax
from jax.experimental import pallas as pl
from jax.experimental.pallas import tpu as pltpu
from jax.experimental.pallas import tpu_sc as plsc

_NC = 2
_NS = 16
_NW = _NC * _NS
_CHUNK = 128
_NBUF = 10


@functools.lru_cache(maxsize=None)
def _build(n_rows: int, embed: int, n_chunks: int):
    mesh = plsc.VectorSubcoreMesh(core_axis_name="c", subcore_axis_name="s")

    @functools.partial(
        pl.kernel,
        out_type=jax.ShapeDtypeStruct((n_rows, embed), jnp.float32),
        mesh=mesh,
        compiler_params=pltpu.CompilerParams(use_tc_tiling_on_sc=False),
        scratch_types=[
            pltpu.VMEM((n_chunks, _CHUNK), jnp.int32),
            pltpu.VMEM((_NBUF, _CHUNK, embed), jnp.float32),
        ]
        + [pltpu.SemaphoreType.DMA] * _NBUF,
    )
    def gather(table_hbm, idx_hbm, out_hbm, idx_v, rows_v, *sems):
        wid = lax.axis_index("s") * _NC + lax.axis_index("c")
        pltpu.sync_copy(idx_hbm.at[wid], idx_v)
        base = wid * (n_chunks * _CHUNK)

        def start(j, slot):
            pltpu.make_async_copy(
                table_hbm.at[idx_v.at[j]], rows_v.at[slot], sems[slot]
            ).start()

        def finish(j, slot):
            pltpu.make_async_copy(
                table_hbm.at[idx_v.at[j]], rows_v.at[slot], sems[slot]
            ).wait()
            pltpu.sync_copy(
                rows_v.at[slot], out_hbm.at[pl.ds(base + j * _CHUNK, _CHUNK)]
            )

        for j in range(_NBUF):
            start(j, j)

        @pl.loop(0, n_chunks, step=_NBUF)
        def ring(j):
            for b in range(_NBUF):
                finish(j + b, b)

                @pl.when(j + b + _NBUF < n_chunks)
                def _():
                    start(j + b + _NBUF, b)

    return gather


def kernel(type_index, entity_table):
    b, h = type_index.shape
    embed = entity_table.shape[1]
    n_rows = b * h
    n_chunks = n_rows // (_NW * _CHUNK)
    idx = type_index.reshape(_NW, n_chunks, _CHUNK)
    out = _build(n_rows, embed, n_chunks)(entity_table, idx)
    return out.reshape(b, h, embed)

# --- scband reference (transcript-rebuilt; emitter-appended) ---
"""Pipeline reference for scband-kg-kge-51805895524565 (READ-ONLY COPY).

The authoritative reference and input builder live on the scoring server;
editing this copy changes nothing except your own understanding.
"""

import jax, jax.numpy as jnp
import numpy as np

VOCAB_SIZE = 1000000
EMBED_SIZE = 64
BATCH = 4096
HIST = 50

def setup_inputs(seed: int = 0) -> dict:
    key = jax.random.key(seed)
    k_idx, k_tab = jax.random.split(key)
    # indices into the entity vocabulary (padding row is the last index VOCAB_SIZE)
    type_index = jax.random.randint(k_idx, (BATCH, HIST), 0, VOCAB_SIZE, dtype=jnp.int32)
    # entity embedding table of size [vocab_size+1, embed_size]; last row (padding_idx=-1) is zeros
    entity_table = jax.random.normal(k_tab, (VOCAB_SIZE + 1, EMBED_SIZE), dtype=jnp.float32)
    entity_table = entity_table.at[VOCAB_SIZE].set(0.0)
    return {"type_index": type_index, "entity_table": entity_table}

def reference(type_index, entity_table):
    # KG_KGE.lookup_emb: embedding_file(type_index) == gather rows of the entity table
    entity_vec = jnp.take(entity_table, type_index, axis=0)
    return entity_vec

if __name__ == "__main__":
    import jax
    _d = setup_inputs()
    print(jax.jit(kernel)(*tuple(_d.values())))

</pallas_src>

<mosaic_0001>
#map = affine_map<(d0, d1) -> (0, 0)>
#map1 = affine_map<(d0, d1) -> (0, 0, 0)>
module attributes {stable_mosaic.version = 14 : i64} {
  func.func @gather(%arg0: i32, %arg1: i32, %arg2: memref<1000001x64xf32, #tpu.memory_space<hbm>>, %arg3: memref<32x50x128xi32, #tpu.memory_space<hbm>>, %arg4: memref<204800x64xf32, #tpu.memory_space<hbm>>, %arg5: memref<50x128xi32, #tpu.memory_space<vmem>>, %arg6: memref<10x128x64xf32, #tpu.memory_space<vmem>>, %arg7: memref<!tpu.dma_semaphore, #tpu.memory_space<semaphore_mem>>, %arg8: memref<!tpu.dma_semaphore, #tpu.memory_space<semaphore_mem>>, %arg9: memref<!tpu.dma_semaphore, #tpu.memory_space<semaphore_mem>>, %arg10: memref<!tpu.dma_semaphore, #tpu.memory_space<semaphore_mem>>, %arg11: memref<!tpu.dma_semaphore, #tpu.memory_space<semaphore_mem>>, %arg12: memref<!tpu.dma_semaphore, #tpu.memory_space<semaphore_mem>>, %arg13: memref<!tpu.dma_semaphore, #tpu.memory_space<semaphore_mem>>, %arg14: memref<!tpu.dma_semaphore, #tpu.memory_space<semaphore_mem>>, %arg15: memref<!tpu.dma_semaphore, #tpu.memory_space<semaphore_mem>>, %arg16: memref<!tpu.dma_semaphore, #tpu.memory_space<semaphore_mem>>) attributes {dimension_semantics = [#tpu.dimension_semantics<core_parallel>, #tpu.dimension_semantics<subcore_parallel>], iteration_bounds = array<i64: 2, 16>, scalar_prefetch = 0 : i64, scratch_operands = 12 : i64, tpu.core_type = #tpu.core_type<sc_vector_subcore>, window_params = [{transform_indices = #map}, {transform_indices = #map1}, {transform_indices = #map}]} {
    %mul3A = arith.constant 2 : i32
    %mul3A_0 = arith.muli %arg1, %mul3A : i32
    %add3A = arith.addi %mul3A_0, %arg0 : i32
    "tpu.region"() ({
      %run_scoped3A = tpu.sem_alloc : memref<!tpu.dma_semaphore, #tpu.memory_space<semaphore_mem>>
      %dma_start3A_126 = arith.constant 0 : i32
      %dma_start3A_127 = arith.constant 0 : i32
      %dma_start3A_128 = tpu.memref_slice %arg3[%add3A, %dma_start3A_126, %dma_start3A_127] : memref<32x50x128xi32, #tpu.memory_space<hbm>> -> memref<1x50x128xi32, #tpu.memory_space<hbm>>
      %dma_start3A_129 = tpu.memref_squeeze %dma_start3A_128 : memref<1x50x128xi32, #tpu.memory_space<hbm>> -> memref<50x128xi32, #tpu.memory_space<hbm>>
      %dma_start3A_130 = arith.constant 0 : i32
      %dma_start3A_131 = arith.constant 0 : i32
      %dma_start3A_132 = tpu.memref_slice %arg3[%add3A, %dma_start3A_130, %dma_start3A_131] : memref<32x50x128xi32, #tpu.memory_space<hbm>> -> memref<1x50x128xi32, #tpu.memory_space<hbm>>
      %dma_start3A_133 = tpu.memref_squeeze %dma_start3A_132 : memref<1x50x128xi32, #tpu.memory_space<hbm>> -> memref<50x128xi32, #tpu.memory_space<hbm>>
      tpu.enqueue_dma source(%dma_start3A_133 : memref<50x128xi32, #tpu.memory_space<hbm>>) target(%arg5 : memref<50x128xi32, #tpu.memory_space<vmem>>) target_semaphore(%run_scoped3A : memref<!tpu.dma_semaphore, #tpu.memory_space<semaphore_mem>>)
      %dma_wait3A = arith.constant 0 : i32
      %dma_wait3A_134 = arith.constant 0 : i32
      %dma_wait3A_135 = tpu.memref_slice %arg3[%add3A, %dma_wait3A, %dma_wait3A_134] : memref<32x50x128xi32, #tpu.memory_space<hbm>> -> memref<1x50x128xi32, #tpu.memory_space<hbm>>
      %dma_wait3A_136 = tpu.memref_squeeze %dma_wait3A_135 : memref<1x50x128xi32, #tpu.memory_space<hbm>> -> memref<50x128xi32, #tpu.memory_space<hbm>>
      %dma_wait3A_137 = arith.constant 0 : i32
      %dma_wait3A_138 = arith.constant 0 : i32
      %dma_wait3A_139 = tpu.memref_slice %arg3[%add3A, %dma_wait3A_137, %dma_wait3A_138] : memref<32x50x128xi32, #tpu.memory_space<hbm>> -> memref<1x50x128xi32, #tpu.memory_space<hbm>>
      %dma_wait3A_140 = tpu.memref_squeeze %dma_wait3A_139 : memref<1x50x128xi32, #tpu.memory_space<hbm>> -> memref<50x128xi32, #tpu.memory_space<hbm>>
      tpu.wait_dma2 semaphore(%run_scoped3A : memref<!tpu.dma_semaphore, #tpu.memory_space<semaphore_mem>>) src(%dma_wait3A_140 : memref<50x128xi32, #tpu.memory_space<hbm>>) dst(%arg5 : memref<50x128xi32, #tpu.memory_space<vmem>>)
      tpu.yield
    }) : () -> ()
    %mul3A_1 = arith.constant 6400 : i32
    %mul3A_2 = arith.muli %add3A, %mul3A_1 : i32
    %dma_start3A = arith.constant 0 : i32
    %dma_start3A_3 = arith.constant 0 : i32
    %dma_start3A_4 = arith.constant 0 : i32
    %dma_start3A_5 = arith.constant 0 : i32
    %dma_start3A_6 = tpu.memref_slice %arg6[%dma_start3A_3, %dma_start3A_4, %dma_start3A_5] : memref<10x128x64xf32, #tpu.memory_space<vmem>> -> memref<1x128x64xf32, #tpu.memory_space<vmem>>
    %dma_start3A_7 = tpu.memref_squeeze %dma_start3A_6 : memref<1x128x64xf32, #tpu.memory_space<vmem>> -> memref<128x64xf32, #tpu.memory_space<vmem>>
    %dma_start3A_8 = arith.constant 0 : i32
    %dma_start3A_9 = tpu.memref_slice %arg5[%dma_start3A, %dma_start3A_8] : memref<50x128xi32, #tpu.memory_space<vmem>> -> memref<1x128xi32, #tpu.memory_space<vmem>>
    %dma_start3A_10 = tpu.memref_squeeze %dma_start3A_9 : memref<1x128xi32, #tpu.memory_space<vmem>> -> memref<128xi32, #tpu.memory_space<vmem>>
    %dma_start3A_11 = arith.constant 0 : i32
    %dma_start3A_12 = arith.constant 0 : i32
    %dma_start3A_13 = tpu.memref_slice %arg2[%dma_start3A_11, %dma_start3A_12] : memref<1000001x64xf32, #tpu.memory_space<hbm>> -> memref<1000001x64xf32, #tpu.memory_space<hbm>>
    tpu.enqueue_indirect_dma source(%dma_start3A_13 : memref<1000001x64xf32, #tpu.memory_space<hbm>>) target(%dma_start3A_7 : memref<128x64xf32, #tpu.memory_space<vmem>>) offsets(%dma_start3A_10 : memref<128xi32, #tpu.memory_space<vmem>>) semaphore(%arg7 : memref<!tpu.dma_semaphore, #tpu.memory_space<semaphore_mem>>)
    %dma_start3A_14 = arith.constant 1 : i32
    %dma_start3A_15 = arith.constant 1 : i32
    %dma_start3A_16 = arith.constant 0 : i32
    %dma_start3A_17 = arith.constant 0 : i32
    %dma_start3A_18 = tpu.memref_slice %arg6[%dma_start3A_15, %dma_start3A_16, %dma_start3A_17] : memref<10x128x64xf32, #tpu.memory_space<vmem>> -> memref<1x128x64xf32, #tpu.memory_space<vmem>>
    %dma_start3A_19 = tpu.memref_squeeze %dma_start3A_18 : memref<1x128x64xf32, #tpu.memory_space<vmem>> -> memref<128x64xf32, #tpu.memory_space<vmem>>
    %dma_start3A_20 = arith.constant 0 : i32
    %dma_start3A_21 = tpu.memref_slice %arg5[%dma_start3A_14, %dma_start3A_20] : memref<50x128xi32, #tpu.memory_space<vmem>> -> memref<1x128xi32, #tpu.memory_space<vmem>>
    %dma_start3A_22 = tpu.memref_squeeze %dma_start3A_21 : memref<1x128xi32, #tpu.memory_space<vmem>> -> memref<128xi32, #tpu.memory_space<vmem>>
    %dma_start3A_23 = arith.constant 0 : i32
    %dma_start3A_24 = arith.constant 0 : i32
    %dma_start3A_25 = tpu.memref_slice %arg2[%dma_start3A_23, %dma_start3A_24] : memref<1000001x64xf32, #tpu.memory_space<hbm>> -> memref<1000001x64xf32, #tpu.memory_space<hbm>>
    tpu.enqueue_indirect_dma source(%dma_start3A_25 : memref<1000001x64xf32, #tpu.memory_space<hbm>>) target(%dma_start3A_19 : memref<128x64xf32, #tpu.memory_space<vmem>>) offsets(%dma_start3A_22 : memref<128xi32, #tpu.memory_space<vmem>>) semaphore(%arg8 : memref<!tpu.dma_semaphore, #tpu.memory_space<semaphore_mem>>)
    %dma_start3A_26 = arith.constant 2 : i32
    %dma_start3A_27 = arith.constant 2 : i32
    %dma_start3A_28 = arith.constant 0 : i32
    %dma_start3A_29 = arith.constant 0 : i32
    %dma_start3A_30 = tpu.memref_slice %arg6[%dma_start3A_27, %dma_start3A_28, %dma_start3A_29] : memref<10x128x64xf32, #tpu.memory_space<vmem>> -> memref<1x128x64xf32, #tpu.memory_space<vmem>>
    %dma_start3A_31 = tpu.memref_squeeze %dma_start3A_30 : memref<1x128x64xf32, #tpu.memory_space<vmem>> -> memref<128x64xf32, #tpu.memory_space<vmem>>
    %dma_start3A_32 = arith.constant 0 : i32
    %dma_start3A_33 = tpu.memref_slice %arg5[%dma_start3A_26, %dma_start3A_32] : memref<50x128xi32, #tpu.memory_space<vmem>> -> memref<1x128xi32, #tpu.memory_space<vmem>>
    %dma_start3A_34 = tpu.memref_squeeze %dma_start3A_33 : memref<1x128xi32, #tpu.memory_space<vmem>> -> memref<128xi32, #tpu.memory_space<vmem>>
    %dma_start3A_35 = arith.constant 0 : i32
    %dma_start3A_36 = arith.constant 0 : i32
    %dma_start3A_37 = tpu.memref_slice %arg2[%dma_start3A_35, %dma_start3A_36] : memref<1000001x64xf32, #tpu.memory_space<hbm>> -> memref<1000001x64xf32, #tpu.memory_space<hbm>>
    tpu.enqueue_indirect_dma source(%dma_start3A_37 : memref<1000001x64xf32, #tpu.memory_space<hbm>>) target(%dma_start3A_31 : memref<128x64xf32, #tpu.memory_space<vmem>>) offsets(%dma_start3A_34 : memref<128xi32, #tpu.memory_space<vmem>>) semaphore(%arg9 : memref<!tpu.dma_semaphore, #tpu.memory_space<semaphore_mem>>)
    %dma_start3A_38 = arith.constant 3 : i32
    %dma_start3A_39 = arith.constant 3 : i32
    %dma_start3A_40 = arith.constant 0 : i32
    %dma_start3A_41 = arith.constant 0 : i32
    %dma_start3A_42 = tpu.memref_slice %arg6[%dma_start3A_39, %dma_start3A_40, %dma_start3A_41] : memref<10x128x64xf32, #tpu.memory_space<vmem>> -> memref<1x128x64xf32, #tpu.memory_space<vmem>>
    %dma_start3A_43 = tpu.memref_squeeze %dma_start3A_42 : memref<1x128x64xf32, #tpu.memory_space<vmem>> -> memref<128x64xf32, #tpu.memory_space<vmem>>
    %dma_start3A_44 = arith.constant 0 : i32
    %dma_start3A_45 = tpu.memref_slice %arg5[%dma_start3A_38, %dma_start3A_44] : memref<50x128xi32, #tpu.memory_space<vmem>> -> memref<1x128xi32, #tpu.memory_space<vmem>>
    %dma_start3A_46 = tpu.memref_squeeze %dma_start3A_45 : memref<1x128xi32, #tpu.memory_space<vmem>> -> memref<128xi32, #tpu.memory_space<vmem>>
    %dma_start3A_47 = arith.constant 0 : i32
    %dma_start3A_48 = arith.constant 0 : i32
    %dma_start3A_49 = tpu.memref_slice %arg2[%dma_start3A_47, %dma_start3A_48] : memref<1000001x64xf32, #tpu.memory_space<hbm>> -> memref<1000001x64xf32, #tpu.memory_space<hbm>>
    tpu.enqueue_indirect_dma source(%dma_start3A_49 : memref<1000001x64xf32, #tpu.memory_space<hbm>>) target(%dma_start3A_43 : memref<128x64xf32, #tpu.memory_space<vmem>>) offsets(%dma_start3A_46 : memref<128xi32, #tpu.memory_space<vmem>>) semaphore(%arg10 : memref<!tpu.dma_semaphore, #tpu.memory_space<semaphore_mem>>)
    %dma_start3A_50 = arith.constant 4 : i32
    %dma_start3A_51 = arith.constant 4 : i32
    %dma_start3A_52 = arith.constant 0 : i32
    %dma_start3A_53 = arith.constant 0 : i32
    %dma_start3A_54 = tpu.memref_slice %arg6[%dma_start3A_51, %dma_start3A_52, %dma_start3A_53] : memref<10x128x64xf32, #tpu.memory_space<vmem>> -> memref<1x128x64xf32, #tpu.memory_space<vmem>>
    %dma_start3A_55 = tpu.memref_squeeze %dma_start3A_54 : memref<1x128x64xf32, #tpu.memory_space<vmem>> -> memref<128x64xf32, #tpu.memory_space<vmem>>
    %dma_start3A_56 = arith.constant 0 : i32
    %dma_start3A_57 = tpu.memref_slice %arg5[%dma_start3A_50, %dma_start3A_56] : memref<50x128xi32, #tpu.memory_space<vmem>> -> memref<1x128xi32, #tpu.memory_space<vmem>>
    %dma_start3A_58 = tpu.memref_squeeze %dma_start3A_57 : memref<1x128xi32, #tpu.memory_space<vmem>> -> memref<128xi32, #tpu.memory_space<vmem>>
    %dma_start3A_59 = arith.constant 0 : i32
    %dma_start3A_60 = arith.constant 0 : i32
    %dma_start3A_61 = tpu.memref_slice %arg2[%dma_start3A_59, %dma_start3A_60] : memref<1000001x64xf32, #tpu.memory_space<hbm>> -> memref<1000001x64xf32, #tpu.memory_space<hbm>>
    tpu.enqueue_indirect_dma source(%dma_start3A_61 : memref<1000001x64xf32, #tpu.memory_space<hbm>>) target(%dma_start3A_55 : memref<128x64xf32, #tpu.memory_space<vmem>>) offsets(%dma_start3A_58 : memref<128xi32, #tpu.memory_space<vmem>>) semaphore(%arg11 : memref<!tpu.dma_semaphore, #tpu.memory_space<semaphore_mem>>)
    %dma_start3A_62 = arith.constant 5 : i32
    %dma_start3A_63 = arith.constant 5 : i32
    %dma_start3A_64 = arith.constant 0 : i32
    %dma_start3A_65 = arith.constant 0 : i32
    %dma_start3A_66 = tpu.memref_slice %arg6[%dma_start3A_63, %dma_start3A_64, %dma_start3A_65] : memref<10x128x64xf32, #tpu.memory_space<vmem>> -> memref<1x128x64xf32, #tpu.memory_space<vmem>>
    %dma_start3A_67 = tpu.memref_squeeze %dma_start3A_66 : memref<1x128x64xf32, #tpu.memory_space<vmem>> -> memref<128x64xf32, #tpu.memory_space<vmem>>
    %dma_start3A_68 = arith.constant 0 : i32
    %dma_start3A_69 = tpu.memref_slice %arg5[%dma_start3A_62, %dma_start3A_68] : memref<50x128xi32, #tpu.memory_space<vmem>> -> memref<1x128xi32, #tpu.memory_space<vmem>>
    %dma_start3A_70 = tpu.memref_squeeze %dma_start3A_69 : memref<1x128xi32, #tpu.memory_space<vmem>> -> memref<128xi32, #tpu.memory_space<vmem>>
    %dma_start3A_71 = arith.constant 0 : i32
    %dma_start3A_72 = arith.constant 0 : i32
    %dma_start3A_73 = tpu.memref_slice %arg2[%dma_start3A_71, %dma_start3A_72] : memref<1000001x64xf32, #tpu.memory_space<hbm>> -> memref<1000001x64xf32, #tpu.memory_space<hbm>>
    tpu.enqueue_indirect_dma source(%dma_start3A_73 : memref<1000001x64xf32, #tpu.memory_space<hbm>>) target(%dma_start3A_67 : memref<128x64xf32, #tpu.memory_space<vmem>>) offsets(%dma_start3A_70 : memref<128xi32, #tpu.memory_space<vmem>>) semaphore(%arg12 : memref<!tpu.dma_semaphore, #tpu.memory_space<semaphore_mem>>)
    %dma_start3A_74 = arith.constant 6 : i32
    %dma_start3A_75 = arith.constant 6 : i32
    %dma_start3A_76 = arith.constant 0 : i32
    %dma_start3A_77 = arith.constant 0 : i32
    %dma_start3A_78 = tpu.memref_slice %arg6[%dma_start3A_75, %dma_start3A_76, %dma_start3A_77] : memref<10x128x64xf32, #tpu.memory_space<vmem>> -> memref<1x128x64xf32, #tpu.memory_space<vmem>>
    %dma_start3A_79 = tpu.memref_squeeze %dma_start3A_78 : memref<1x128x64xf32, #tpu.memory_space<vmem>> -> memref<128x64xf32, #tpu.memory_space<vmem>>
    %dma_start3A_80 = arith.constant 0 : i32
    %dma_start3A_81 = tpu.memref_slice %arg5[%dma_start3A_74, %dma_start3A_80] : memref<50x128xi32, #tpu.memory_space<vmem>> -> memref<1x128xi32, #tpu.memory_space<vmem>>
    %dma_start3A_82 = tpu.memref_squeeze %dma_start3A_81 : memref<1x128xi32, #tpu.memory_space<vmem>> -> memref<128xi32, #tpu.memory_space<vmem>>
    %dma_start3A_83 = arith.constant 0 : i32
    %dma_start3A_84 = arith.constant 0 : i32
    %dma_start3A_85 = tpu.memref_slice %arg2[%dma_start3A_83, %dma_start3A_84] : memref<1000001x64xf32, #tpu.memory_space<hbm>> -> memref<1000001x64xf32, #tpu.memory_space<hbm>>
    tpu.enqueue_indirect_dma source(%dma_start3A_85 : memref<1000001x64xf32, #tpu.memory_space<hbm>>) target(%dma_start3A_79 : memref<128x64xf32, #tpu.memory_space<vmem>>) offsets(%dma_start3A_82 : memref<128xi32, #tpu.memory_space<vmem>>) semaphore(%arg13 : memref<!tpu.dma_semaphore, #tpu.memory_space<semaphore_mem>>)
    %dma_start3A_86 = arith.constant 7 : i32
    %dma_start3A_87 = arith.constant 7 : i32
    %dma_start3A_88 = arith.constant 0 : i32
    %dma_start3A_89 = arith.constant 0 : i32
    %dma_start3A_90 = tpu.memref_slice %arg6[%dma_start3A_87, %dma_start3A_88, %dma_start3A_89] : memref<10x128x64xf32, #tpu.memory_space<vmem>> -> memref<1x128x64xf32, #tpu.memory_space<vmem>>
    %dma_start3A_91 = tpu.memref_squeeze %dma_start3A_90 : memref<1x128x64xf32, #tpu.memory_space<vmem>> -> memref<128x64xf32, #tpu.memory_space<vmem>>
    %dma_start3A_92 = arith.constant 0 : i32
    %dma_start3A_93 = tpu.memref_slice %arg5[%dma_start3A_86, %dma_start3A_92] : memref<50x128xi32, #tpu.memory_space<vmem>> -> memref<1x128xi32, #tpu.memory_space<vmem>>
    %dma_start3A_94 = tpu.memref_squeeze %dma_start3A_93 : memref<1x128xi32, #tpu.memory_space<vmem>> -> memref<128xi32, #tpu.memory_space<vmem>>
    %dma_start3A_95 = arith.constant 0 : i32
    %dma_start3A_96 = arith.constant 0 : i32
    %dma_start3A_97 = tpu.memref_slice %arg2[%dma_start3A_95, %dma_start3A_96] : memref<1000001x64xf32, #tpu.memory_space<hbm>> -> memref<1000001x64xf32, #tpu.memory_space<hbm>>
    tpu.enqueue_indirect_dma source(%dma_start3A_97 : memref<1000001x64xf32, #tpu.memory_space<hbm>>) target(%dma_start3A_91 : memref<128x64xf32, #tpu.memory_space<vmem>>) offsets(%dma_start3A_94 : memref<128xi32, #tpu.memory_space<vmem>>) semaphore(%arg14 : memref<!tpu.dma_semaphore, #tpu.memory_space<semaphore_mem>>)
    %dma_start3A_98 = arith.constant 8 : i32
    %dma_start3A_99 = arith.constant 8 : i32
    %dma_start3A_100 = arith.constant 0 : i32
    %dma_start3A_101 = arith.constant 0 : i32
    %dma_start3A_102 = tpu.memref_slice %arg6[%dma_start3A_99, %dma_start3A_100, %dma_start3A_101] : memref<10x128x64xf32, #tpu.memory_space<vmem>> -> memref<1x128x64xf32, #tpu.memory_space<vmem>>
    %dma_start3A_103 = tpu.memref_squeeze %dma_start3A_102 : memref<1x128x64xf32, #tpu.memory_space<vmem>> -> memref<128x64xf32, #tpu.memory_space<vmem>>
    %dma_start3A_104 = arith.constant 0 : i32
    %dma_start3A_105 = tpu.memref_slice %arg5[%dma_start3A_98, %dma_start3A_104] : memref<50x128xi32, #tpu.memory_space<vmem>> -> memref<1x128xi32, #tpu.memory_space<vmem>>
    %dma_start3A_106 = tpu.memref_squeeze %dma_start3A_105 : memref<1x128xi32, #tpu.memory_space<vmem>> -> memref<128xi32, #tpu.memory_space<vmem>>
    %dma_start3A_107 = arith.constant 0 : i32
    %dma_start3A_108 = arith.constant 0 : i32
    %dma_start3A_109 = tpu.memref_slice %arg2[%dma_start3A_107, %dma_start3A_108] : memref<1000001x64xf32, #tpu.memory_space<hbm>> -> memref<1000001x64xf32, #tpu.memory_space<hbm>>
    tpu.enqueue_indirect_dma source(%dma_start3A_109 : memref<1000001x64xf32, #tpu.memory_space<hbm>>) target(%dma_start3A_103 : memref<128x64xf32, #tpu.memory_space<vmem>>) offsets(%dma_start3A_106 : memref<128xi32, #tpu.memory_space<vmem>>) semaphore(%arg15 : memref<!tpu.dma_semaphore, #tpu.memory_space<semaphore_mem>>)
    %dma_start3A_110 = arith.constant 9 : i32
    %dma_start3A_111 = arith.constant 9 : i32
    %dma_start3A_112 = arith.constant 0 : i32
    %dma_start3A_113 = arith.constant 0 : i32
    %dma_start3A_114 = tpu.memref_slice %arg6[%dma_start3A_111, %dma_start3A_112, %dma_start3A_113] : memref<10x128x64xf32, #tpu.memory_space<vmem>> -> memref<1x128x64xf32, #tpu.memory_space<vmem>>
    %dma_start3A_115 = tpu.memref_squeeze %dma_start3A_114 : memref<1x128x64xf32, #tpu.memory_space<vmem>> -> memref<128x64xf32, #tpu.memory_space<vmem>>
    %dma_start3A_116 = arith.constant 0 : i32
    %dma_start3A_117 = tpu.memref_slice %arg5[%dma_start3A_110, %dma_start3A_116] : memref<50x128xi32, #tpu.memory_space<vmem>> -> memref<1x128xi32, #tpu.memory_space<vmem>>
    %dma_start3A_118 = tpu.memref_squeeze %dma_start3A_117 : memref<1x128xi32, #tpu.memory_space<vmem>> -> memref<128xi32, #tpu.memory_space<vmem>>
    %dma_start3A_119 = arith.constant 0 : i32
    %dma_start3A_120 = arith.constant 0 : i32
    %dma_start3A_121 = tpu.memref_slice %arg2[%dma_start3A_119, %dma_start3A_120] : memref<1000001x64xf32, #tpu.memory_space<hbm>> -> memref<1000001x64xf32, #tpu.memory_space<hbm>>
    tpu.enqueue_indirect_dma source(%dma_start3A_121 : memref<1000001x64xf32, #tpu.memory_space<hbm>>) target(%dma_start3A_115 : memref<128x64xf32, #tpu.memory_space<vmem>>) offsets(%dma_start3A_118 : memref<128xi32, #tpu.memory_space<vmem>>) semaphore(%arg16 : memref<!tpu.dma_semaphore, #tpu.memory_space<semaphore_mem>>)
    %scan3A = arith.constant 0 : i32
    %scan3A_122 = arith.constant 5 : i32
    %scan3A_123 = arith.addi %scan3A, %scan3A_122 : i32
    %scan3A_124 = arith.constant 1 : i32
    scf.for %scan3A_126 = %scan3A to %scan3A_123 step %scan3A_124  : i32 {
      %mul3A_127 = arith.constant 10 : i32
      %mul3A_128 = arith.muli %scan3A_126, %mul3A_127 : i32
      %add3A_129 = arith.constant 0 : i32
      %add3A_130 = arith.addi %add3A_129, %mul3A_128 : i32
      %add3A_131 = arith.constant 0 : i32
      %add3A_132 = arith.addi %add3A_130, %add3A_131 : i32
      %dma_wait3A = arith.constant 0 : i32
      %dma_wait3A_133 = arith.constant 0 : i32
      %dma_wait3A_134 = arith.constant 0 : i32
      %dma_wait3A_135 = tpu.memref_slice %arg6[%dma_wait3A, %dma_wait3A_133, %dma_wait3A_134] : memref<10x128x64xf32, #tpu.memory_space<vmem>> -> memref<1x128x64xf32, #tpu.memory_space<vmem>>
      %dma_wait3A_136 = tpu.memref_squeeze %dma_wait3A_135 : memref<1x128x64xf32, #tpu.memory_space<vmem>> -> memref<128x64xf32, #tpu.memory_space<vmem>>
      %dma_wait3A_137 = arith.constant 0 : i32
      %dma_wait3A_138 = tpu.memref_slice %arg5[%add3A_132, %dma_wait3A_137] : memref<50x128xi32, #tpu.memory_space<vmem>> -> memref<1x128xi32, #tpu.memory_space<vmem>>
      %dma_wait3A_139 = tpu.memref_squeeze %dma_wait3A_138 : memref<1x128xi32, #tpu.memory_space<vmem>> -> memref<128xi32, #tpu.memory_space<vmem>>
      %dma_wait3A_140 = arith.constant 0 : i32
      %dma_wait3A_141 = arith.constant 0 : i32
      %dma_wait3A_142 = tpu.memref_slice %arg2[%dma_wait3A_140, %dma_wait3A_141] : memref<1000001x64xf32, #tpu.memory_space<hbm>> -> memref<1000001x64xf32, #tpu.memory_space<hbm>>
      tpu.wait_indirect_dma semaphore(%arg7 : memref<!tpu.dma_semaphore, #tpu.memory_space<semaphore_mem>>) src(%dma_wait3A_142 : memref<1000001x64xf32, #tpu.memory_space<hbm>>) dst(%dma_wait3A_136 : memref<128x64xf32, #tpu.memory_space<vmem>>)
      %mul3A_143 = arith.constant 128 : i32
      %mul3A_144 = arith.muli %add3A_132, %mul3A_143 : i32
      %add3A_145 = arith.addi %mul3A_2, %mul3A_144 : i32
      %run_scoped3A = arith.constant 0 : i32
      "tpu.region"() ({
        %run_scoped3A_386 = tpu.sem_alloc : memref<!tpu.dma_semaphore, #tpu.memory_space<semaphore_mem>>
        %dma_start3A_387 = arith.constant 0 : i32
        %dma_start3A_388 = arith.constant 0 : i32
        %dma_start3A_389 = tpu.memref_slice %arg6[%run_scoped3A, %dma_start3A_387, %dma_start3A_388] : memref<10x128x64xf32, #tpu.memory_space<vmem>> -> memref<1x128x64xf32, #tpu.memory_space<vmem>>
        %dma_start3A_390 = tpu.memref_squeeze %dma_start3A_389 : memref<1x128x64xf32, #tpu.memory_space<vmem>> -> memref<128x64xf32, #tpu.memory_space<vmem>>
        %dma_start3A_391 = arith.constant 0 : i32
        %dma_start3A_392 = tpu.memref_slice %arg4[%add3A_145, %dma_start3A_391] : memref<204800x64xf32, #tpu.memory_space<hbm>> -> memref<128x64xf32, #tpu.memory_space<hbm>>
        %dma_start3A_393 = arith.constant 0 : i32
        %dma_start3A_394 = tpu.memref_slice %arg4[%add3A_145, %dma_start3A_393] : memref<204800x64xf32, #tpu.memory_space<hbm>> -> memref<128x64xf32, #tpu.memory_space<hbm>>
        %dma_start3A_395 = arith.constant 0 : i32
        %dma_start3A_396 = arith.constant 0 : i32
        %dma_start3A_397 = tpu.memref_slice %arg6[%run_scoped3A, %dma_start3A_395, %dma_start3A_396] : memref<10x128x64xf32, #tpu.memory_space<vmem>> -> memref<1x128x64xf32, #tpu.memory_space<vmem>>
        %dma_start3A_398 = tpu.memref_squeeze %dma_start3A_397 : memref<1x128x64xf32, #tpu.memory_space<vmem>> -> memref<128x64xf32, #tpu.memory_space<vmem>>
        tpu.enqueue_dma source(%dma_start3A_398 : memref<128x64xf32, #tpu.memory_space<vmem>>) target(%dma_start3A_394 : memref<128x64xf32, #tpu.memory_space<hbm>>) target_semaphore(%run_scoped3A_386 : memref<!tpu.dma_semaphore, #tpu.memory_space<semaphore_mem>>)
        %dma_wait3A_399 = arith.constant 0 : i32
        %dma_wait3A_400 = arith.constant 0 : i32
        %dma_wait3A_401 = tpu.memref_slice %arg6[%run_scoped3A, %dma_wait3A_399, %dma_wait3A_400] : memref<10x128x64xf32, #tpu.memory_space<vmem>> -> memref<1x128x64xf32, #tpu.memory_space<vmem>>
        %dma_wait3A_402 = tpu.memref_squeeze %dma_wait3A_401 : memref<1x128x64xf32, #tpu.memory_space<vmem>> -> memref<128x64xf32, #tpu.memory_space<vmem>>
        %dma_wait3A_403 = arith.constant 0 : i32
        %dma_wait3A_404 = tpu.memref_slice %arg4[%add3A_145, %dma_wait3A_403] : memref<204800x64xf32, #tpu.memory_space<hbm>> -> memref<128x64xf32, #tpu.memory_space<hbm>>
        %dma_wait3A_405 = arith.constant 0 : i32
        %dma_wait3A_406 = tpu.memref_slice %arg4[%add3A_145, %dma_wait3A_405] : memref<204800x64xf32, #tpu.memory_space<hbm>> -> memref<128x64xf32, #tpu.memory_space<hbm>>
        %dma_wait3A_407 = arith.constant 0 : i32
        %dma_wait3A_408 = arith.constant 0 : i32
        %dma_wait3A_409 = tpu.memref_slice %arg6[%run_scoped3A, %dma_wait3A_407, %dma_wait3A_408] : memref<10x128x64xf32, #tpu.memory_space<vmem>> -> memref<1x128x64xf32, #tpu.memory_space<vmem>>
        %dma_wait3A_410 = tpu.memref_squeeze %dma_wait3A_409 : memref<1x128x64xf32, #tpu.memory_space<vmem>> -> memref<128x64xf32, #tpu.memory_space<vmem>>
        tpu.wait_dma2 semaphore(%run_scoped3A_386 : memref<!tpu.dma_semaphore, #tpu.memory_space<semaphore_mem>>) src(%dma_wait3A_410 : memref<128x64xf32, #tpu.memory_space<vmem>>) dst(%dma_wait3A_406 : memref<128x64xf32, #tpu.memory_space<hbm>>)
        tpu.yield
      }) : () -> ()
      %add3A_146 = arith.constant 0 : i32
      %add3A_147 = arith.addi %add3A_130, %add3A_146 : i32
      %add3A_148 = arith.constant 10 : i32
      %add3A_149 = arith.addi %add3A_147, %add3A_148 : i32
      %lt3A = arith.constant 50 : i32
      %lt3A_150 = arith.cmpi slt, %add3A_149, %lt3A : i32
      %convert_element_type3A = arith.extui %lt3A_150 : i1 to i32
      %cond3A = arith.constant 0 : i32
      %cond3A_151 = arith.cmpi ne, %convert_element_type3A, %cond3A : i32
      scf.if %cond3A_151 {
        %add3A_386 = arith.constant 0 : i32
        %add3A_387 = arith.addi %add3A_130, %add3A_386 : i32
        %add3A_388 = arith.constant 10 : i32
        %add3A_389 = arith.addi %add3A_387, %add3A_388 : i32
        %dma_start3A_390 = arith.constant 0 : i32
        %dma_start3A_391 = arith.constant 0 : i32
        %dma_start3A_392 = arith.constant 0 : i32
        %dma_start3A_393 = tpu.memref_slice %arg6[%dma_start3A_390, %dma_start3A_391, %dma_start3A_392] : memref<10x128x64xf32, #tpu.memory_space<vmem>> -> memref<1x128x64xf32, #tpu.memory_space<vmem>>
        %dma_start3A_394 = tpu.memref_squeeze %dma_start3A_393 : memref<1x128x64xf32, #tpu.memory_space<vmem>> -> memref<128x64xf32, #tpu.memory_space<vmem>>
        %dma_start3A_395 = arith.constant 0 : i32
        %dma_start3A_396 = tpu.memref_slice %arg5[%add3A_389, %dma_start3A_395] : memref<50x128xi32, #tpu.memory_space<vmem>> -> memref<1x128xi32, #tpu.memory_space<vmem>>
        %dma_start3A_397 = tpu.memref_squeeze %dma_start3A_396 : memref<1x128xi32, #tpu.memory_space<vmem>> -> memref<128xi32, #tpu.memory_space<vmem>>
        %dma_start3A_398 = arith.constant 0 : i32
        %dma_start3A_399 = arith.constant 0 : i32
        %dma_start3A_400 = tpu.memref_slice %arg2[%dma_start3A_398, %dma_start3A_399] : memref<1000001x64xf32, #tpu.memory_space<hbm>> -> memref<1000001x64xf32, #tpu.memory_space<hbm>>
        tpu.enqueue_indirect_dma source(%dma_start3A_400 : memref<1000001x64xf32, #tpu.memory_space<hbm>>) target(%dma_start3A_394 : memref<128x64xf32, #tpu.memory_space<vmem>>) offsets(%dma_start3A_397 : memref<128xi32, #tpu.memory_space<vmem>>) semaphore(%arg7 : memref<!tpu.dma_semaphore, #tpu.memory_space<semaphore_mem>>)
      } else {
      }
      %add3A_152 = arith.constant 1 : i32
      %add3A_153 = arith.addi %add3A_130, %add3A_152 : i32
      %dma_wait3A_154 = arith.constant 1 : i32
      %dma_wait3A_155 = arith.constant 0 : i32
      %dma_wait3A_156 = arith.constant 0 : i32
      %dma_wait3A_157 = tpu.memref_slice %arg6[%dma_wait3A_154, %dma_wait3A_155, %dma_wait3A_156] : memref<10x128x64xf32, #tpu.memory_space<vmem>> -> memref<1x128x64xf32, #tpu.memory_space<vmem>>
      %dma_wait3A_158 = tpu.memref_squeeze %dma_wait3A_157 : memref<1x128x64xf32, #tpu.memory_space<vmem>> -> memref<128x64xf32, #tpu.memory_space<vmem>>
      %dma_wait3A_159 = arith.constant 0 : i32
      %dma_wait3A_160 = tpu.memref_slice %arg5[%add3A_153, %dma_wait3A_159] : memref<50x128xi32, #tpu.memory_space<vmem>> -> memref<1x128xi32, #tpu.memory_space<vmem>>
      %dma_wait3A_161 = tpu.memref_squeeze %dma_wait3A_160 : memref<1x128xi32, #tpu.memory_space<vmem>> -> memref<128xi32, #tpu.memory_space<vmem>>
      %dma_wait3A_162 = arith.constant 0 : i32
      %dma_wait3A_163 = arith.constant 0 : i32
      %dma_wait3A_164 = tpu.memref_slice %arg2[%dma_wait3A_162, %dma_wait3A_163] : memref<1000001x64xf32, #tpu.memory_space<hbm>> -> memref<1000001x64xf32, #tpu.memory_space<hbm>>
      tpu.wait_indirect_dma semaphore(%arg8 : memref<!tpu.dma_semaphore, #tpu.memory_space<semaphore_mem>>) src(%dma_wait3A_164 : memref<1000001x64xf32, #tpu.memory_space<hbm>>) dst(%dma_wait3A_158 : memref<128x64xf32, #tpu.memory_space<vmem>>)
      %mul3A_165 = arith.constant 128 : i32
      %mul3A_166 = arith.muli %add3A_153, %mul3A_165 : i32
      %add3A_167 = arith.addi %mul3A_2, %mul3A_166 : i32
      %run_scoped3A_168 = arith.constant 1 : i32
      "tpu.region"() ({
        %run_scoped3A_386 = tpu.sem_alloc : memref<!tpu.dma_semaphore, #tpu.memory_space<semaphore_mem>>
        %dma_start3A_387 = arith.constant 0 : i32
        %dma_start3A_388 = arith.constant 0 : i32
        %dma_start3A_389 = tpu.memref_slice %arg6[%run_scoped3A_168, %dma_start3A_387, %dma_start3A_388] : memref<10x128x64xf32, #tpu.memory_space<vmem>> -> memref<1x128x64xf32, #tpu.memory_space<vmem>>
        %dma_start3A_390 = tpu.memref_squeeze %dma_start3A_389 : memref<1x128x64xf32, #tpu.memory_space<vmem>> -> memref<128x64xf32, #tpu.memory_space<vmem>>
        %dma_start3A_391 = arith.constant 0 : i32
        %dma_start3A_392 = tpu.memref_slice %arg4[%add3A_167, %dma_start3A_391] : memref<204800x64xf32, #tpu.memory_space<hbm>> -> memref<128x64xf32, #tpu.memory_space<hbm>>
        %dma_start3A_393 = arith.constant 0 : i32
        %dma_start3A_394 = tpu.memref_slice %arg4[%add3A_167, %dma_start3A_393] : memref<204800x64xf32, #tpu.memory_space<hbm>> -> memref<128x64xf32, #tpu.memory_space<hbm>>
        %dma_start3A_395 = arith.constant 0 : i32
        %dma_start3A_396 = arith.constant 0 : i32
        %dma_start3A_397 = tpu.memref_slice %arg6[%run_scoped3A_168, %dma_start3A_395, %dma_start3A_396] : memref<10x128x64xf32, #tpu.memory_space<vmem>> -> memref<1x128x64xf32, #tpu.memory_space<vmem>>
        %dma_start3A_398 = tpu.memref_squeeze %dma_start3A_397 : memref<1x128x64xf32, #tpu.memory_space<vmem>> -> memref<128x64xf32, #tpu.memory_space<vmem>>
        tpu.enqueue_dma source(%dma_start3A_398 : memref<128x64xf32, #tpu.memory_space<vmem>>) target(%dma_start3A_394 : memref<128x64xf32, #tpu.memory_space<hbm>>) target_semaphore(%run_scoped3A_386 : memref<!tpu.dma_semaphore, #tpu.memory_space<semaphore_mem>>)
        %dma_wait3A_399 = arith.constant 0 : i32
        %dma_wait3A_400 = arith.constant 0 : i32
        %dma_wait3A_401 = tpu.memref_slice %arg6[%run_scoped3A_168, %dma_wait3A_399, %dma_wait3A_400] : memref<10x128x64xf32, #tpu.memory_space<vmem>> -> memref<1x128x64xf32, #tpu.memory_space<vmem>>
        %dma_wait3A_402 = tpu.memref_squeeze %dma_wait3A_401 : memref<1x128x64xf32, #tpu.memory_space<vmem>> -> memref<128x64xf32, #tpu.memory_space<vmem>>
        %dma_wait3A_403 = arith.constant 0 : i32
        %dma_wait3A_404 = tpu.memref_slice %arg4[%add3A_167, %dma_wait3A_403] : memref<204800x64xf32, #tpu.memory_space<hbm>> -> memref<128x64xf32, #tpu.memory_space<hbm>>
        %dma_wait3A_405 = arith.constant 0 : i32
        %dma_wait3A_406 = tpu.memref_slice %arg4[%add3A_167, %dma_wait3A_405] : memref<204800x64xf32, #tpu.memory_space<hbm>> -> memref<128x64xf32, #tpu.memory_space<hbm>>
        %dma_wait3A_407 = arith.constant 0 : i32
        %dma_wait3A_408 = arith.constant 0 : i32
        %dma_wait3A_409 = tpu.memref_slice %arg6[%run_scoped3A_168, %dma_wait3A_407, %dma_wait3A_408] : memref<10x128x64xf32, #tpu.memory_space<vmem>> -> memref<1x128x64xf32, #tpu.memory_space<vmem>>
        %dma_wait3A_410 = tpu.memref_squeeze %dma_wait3A_409 : memref<1x128x64xf32, #tpu.memory_space<vmem>> -> memref<128x64xf32, #tpu.memory_space<vmem>>
        tpu.wait_dma2 semaphore(%run_scoped3A_386 : memref<!tpu.dma_semaphore, #tpu.memory_space<semaphore_mem>>) src(%dma_wait3A_410 : memref<128x64xf32, #tpu.memory_space<vmem>>) dst(%dma_wait3A_406 : memref<128x64xf32, #tpu.memory_space<hbm>>)
        tpu.yield
      }) : () -> ()
      %add3A_169 = arith.constant 1 : i32
      %add3A_170 = arith.addi %add3A_130, %add3A_169 : i32
      %add3A_171 = arith.constant 10 : i32
      %add3A_172 = arith.addi %add3A_170, %add3A_171 : i32
      %lt3A_173 = arith.constant 50 : i32
      %lt3A_174 = arith.cmpi slt, %add3A_172, %lt3A_173 : i32
      %convert_element_type3A_175 = arith.extui %lt3A_174 : i1 to i32
      %cond3A_176 = arith.constant 0 : i32
      %cond3A_177 = arith.cmpi ne, %convert_element_type3A_175, %cond3A_176 : i32
      scf.if %cond3A_177 {
        %add3A_386 = arith.constant 1 : i32
        %add3A_387 = arith.addi %add3A_130, %add3A_386 : i32
        %add3A_388 = arith.constant 10 : i32
        %add3A_389 = arith.addi %add3A_387, %add3A_388 : i32
        %dma_start3A_390 = arith.constant 1 : i32
        %dma_start3A_391 = arith.constant 0 : i32
        %dma_start3A_392 = arith.constant 0 : i32
        %dma_start3A_393 = tpu.memref_slice %arg6[%dma_start3A_390, %dma_start3A_391, %dma_start3A_392] : memref<10x128x64xf32, #tpu.memory_space<vmem>> -> memref<1x128x64xf32, #tpu.memory_space<vmem>>
        %dma_start3A_394 = tpu.memref_squeeze %dma_start3A_393 : memref<1x128x64xf32, #tpu.memory_space<vmem>> -> memref<128x64xf32, #tpu.memory_space<vmem>>
        %dma_start3A_395 = arith.constant 0 : i32
        %dma_start3A_396 = tpu.memref_slice %arg5[%add3A_389, %dma_start3A_395] : memref<50x128xi32, #tpu.memory_space<vmem>> -> memref<1x128xi32, #tpu.memory_space<vmem>>
        %dma_start3A_397 = tpu.memref_squeeze %dma_start3A_396 : memref<1x128xi32, #tpu.memory_space<vmem>> -> memref<128xi32, #tpu.memory_space<vmem>>
        %dma_start3A_398 = arith.constant 0 : i32
        %dma_start3A_399 = arith.constant 0 : i32
        %dma_start3A_400 = tpu.memref_slice %arg2[%dma_start3A_398, %dma_start3A_399] : memref<1000001x64xf32, #tpu.memory_space<hbm>> -> memref<1000001x64xf32, #tpu.memory_space<hbm>>
        tpu.enqueue_indirect_dma source(%dma_start3A_400 : memref<1000001x64xf32, #tpu.memory_space<hbm>>) target(%dma_start3A_394 : memref<128x64xf32, #tpu.memory_space<vmem>>) offsets(%dma_start3A_397 : memref<128xi32, #tpu.memory_space<vmem>>) semaphore(%arg8 : memref<!tpu.dma_semaphore, #tpu.memory_space<semaphore_mem>>)
      } else {
      }
      %add3A_178 = arith.constant 2 : i32
      %add3A_179 = arith.addi %add3A_130, %add3A_178 : i32
      %dma_wait3A_180 = arith.constant 2 : i32
      %dma_wait3A_181 = arith.constant 0 : i32
      %dma_wait3A_182 = arith.constant 0 : i32
      %dma_wait3A_183 = tpu.memref_slice %arg6[%dma_wait3A_180, %dma_wait3A_181, %dma_wait3A_182] : memref<10x128x64xf32, #tpu.memory_space<vmem>> -> memref<1x128x64xf32, #tpu.memory_space<vmem>>
      %dma_wait3A_184 = tpu.memref_squeeze %dma_wait3A_183 : memref<1x128x64xf32, #tpu.memory_space<vmem>> -> memref<128x64xf32, #tpu.memory_space<vmem>>
      %dma_wait3A_185 = arith.constant 0 : i32
      %dma_wait3A_186 = tpu.memref_slice %arg5[%add3A_179, %dma_wait3A_185] : memref<50x128xi32, #tpu.memory_space<vmem>> -> memref<1x128xi32, #tpu.memory_space<vmem>>
      %dma_wait3A_187 = tpu.memref_squeeze %dma_wait3A_186 : memref<1x128xi32, #tpu.memory_space<vmem>> -> memref<128xi32, #tpu.memory_space<vmem>>
      %dma_wait3A_188 = arith.constant 0 : i32
      %dma_wait3A_189 = arith.constant 0 : i32
      %dma_wait3A_190 = tpu.memref_slice %arg2[%dma_wait3A_188, %dma_wait3A_189] : memref<1000001x64xf32, #tpu.memory_space<hbm>> -> memref<1000001x64xf32, #tpu.memory_space<hbm>>
      tpu.wait_indirect_dma semaphore(%arg9 : memref<!tpu.dma_semaphore, #tpu.memory_space<semaphore_mem>>) src(%dma_wait3A_190 : memref<1000001x64xf32, #tpu.memory_space<hbm>>) dst(%dma_wait3A_184 : memref<128x64xf32, #tpu.memory_space<vmem>>)
      %mul3A_191 = arith.constant 128 : i32
      %mul3A_192 = arith.muli %add3A_179, %mul3A_191 : i32
      %add3A_193 = arith.addi %mul3A_2, %mul3A_192 : i32
      %run_scoped3A_194 = arith.constant 2 : i32
      "tpu.region"() ({
        %run_scoped3A_386 = tpu.sem_alloc : memref<!tpu.dma_semaphore, #tpu.memory_space<semaphore_mem>>
        %dma_start3A_387 = arith.constant 0 : i32
        %dma_start3A_388 = arith.constant 0 : i32
        %dma_start3A_389 = tpu.memref_slice %arg6[%run_scoped3A_194, %dma_start3A_387, %dma_start3A_388] : memref<10x128x64xf32, #tpu.memory_space<vmem>> -> memref<1x128x64xf32, #tpu.memory_space<vmem>>
        %dma_start3A_390 = tpu.memref_squeeze %dma_start3A_389 : memref<1x128x64xf32, #tpu.memory_space<vmem>> -> memref<128x64xf32, #tpu.memory_space<vmem>>
        %dma_start3A_391 = arith.constant 0 : i32
        %dma_start3A_392 = tpu.memref_slice %arg4[%add3A_193, %dma_start3A_391] : memref<204800x64xf32, #tpu.memory_space<hbm>> -> memref<128x64xf32, #tpu.memory_space<hbm>>
        %dma_start3A_393 = arith.constant 0 : i32
        %dma_start3A_394 = tpu.memref_slice %arg4[%add3A_193, %dma_start3A_393] : memref<204800x64xf32, #tpu.memory_space<hbm>> -> memref<128x64xf32, #tpu.memory_space<hbm>>
        %dma_start3A_395 = arith.constant 0 : i32
        %dma_start3A_396 = arith.constant 0 : i32
        %dma_start3A_397 = tpu.memref_slice %arg6[%run_scoped3A_194, %dma_start3A_395, %dma_start3A_396] : memref<10x128x64xf32, #tpu.memory_space<vmem>> -> memref<1x128x64xf32, #tpu.memory_space<vmem>>
        %dma_start3A_398 = tpu.memref_squeeze %dma_start3A_397 : memref<1x128x64xf32, #tpu.memory_space<vmem>> -> memref<128x64xf32, #tpu.memory_space<vmem>>
        tpu.enqueue_dma source(%dma_start3A_398 : memref<128x64xf32, #tpu.memory_space<vmem>>) target(%dma_start3A_394 : memref<128x64xf32, #tpu.memory_space<hbm>>) target_semaphore(%run_scoped3A_386 : memref<!tpu.dma_semaphore, #tpu.memory_space<semaphore_mem>>)
        %dma_wait3A_399 = arith.constant 0 : i32
        %dma_wait3A_400 = arith.constant 0 : i32
        %dma_wait3A_401 = tpu.memref_slice %arg6[%run_scoped3A_194, %dma_wait3A_399, %dma_wait3A_400] : memref<10x128x64xf32, #tpu.memory_space<vmem>> -> memref<1x128x64xf32, #tpu.memory_space<vmem>>
        %dma_wait3A_402 = tpu.memref_squeeze %dma_wait3A_401 : memref<1x128x64xf32, #tpu.memory_space<vmem>> -> memref<128x64xf32, #tpu.memory_space<vmem>>
        %dma_wait3A_403 = arith.constant 0 : i32
        %dma_wait3A_404 = tpu.memref_slice %arg4[%add3A_193, %dma_wait3A_403] : memref<204800x64xf32, #tpu.memory_space<hbm>> -> memref<128x64xf32, #tpu.memory_space<hbm>>
        %dma_wait3A_405 = arith.constant 0 : i32
        %dma_wait3A_406 = tpu.memref_slice %arg4[%add3A_193, %dma_wait3A_405] : memref<204800x64xf32, #tpu.memory_space<hbm>> -> memref<128x64xf32, #tpu.memory_space<hbm>>
        %dma_wait3A_407 = arith.constant 0 : i32
        %dma_wait3A_408 = arith.constant 0 : i32
        %dma_wait3A_409 = tpu.memref_slice %arg6[%run_scoped3A_194, %dma_wait3A_407, %dma_wait3A_408] : memref<10x128x64xf32, #tpu.memory_space<vmem>> -> memref<1x128x64xf32, #tpu.memory_space<vmem>>
        %dma_wait3A_410 = tpu.memref_squeeze %dma_wait3A_409 : memref<1x128x64xf32, #tpu.memory_space<vmem>> -> memref<128x64xf32, #tpu.memory_space<vmem>>
        tpu.wait_dma2 semaphore(%run_scoped3A_386 : memref<!tpu.dma_semaphore, #tpu.memory_space<semaphore_mem>>) src(%dma_wait3A_410 : memref<128x64xf32, #tpu.memory_space<vmem>>) dst(%dma_wait3A_406 : memref<128x64xf32, #tpu.memory_space<hbm>>)
        tpu.yield
      }) : () -> ()
      %add3A_195 = arith.constant 2 : i32
      %add3A_196 = arith.addi %add3A_130, %add3A_195 : i32
      %add3A_197 = arith.constant 10 : i32
      %add3A_198 = arith.addi %add3A_196, %add3A_197 : i32
      %lt3A_199 = arith.constant 50 : i32
      %lt3A_200 = arith.cmpi slt, %add3A_198, %lt3A_199 : i32
      %convert_element_type3A_201 = arith.extui %lt3A_200 : i1 to i32
      %cond3A_202 = arith.constant 0 : i32
      %cond3A_203 = arith.cmpi ne, %convert_element_type3A_201, %cond3A_202 : i32
      scf.if %cond3A_203 {
        %add3A_386 = arith.constant 2 : i32
        %add3A_387 = arith.addi %add3A_130, %add3A_386 : i32
        %add3A_388 = arith.constant 10 : i32
        %add3A_389 = arith.addi %add3A_387, %add3A_388 : i32
        %dma_start3A_390 = arith.constant 2 : i32
        %dma_start3A_391 = arith.constant 0 : i32
        %dma_start3A_392 = arith.constant 0 : i32
        %dma_start3A_393 = tpu.memref_slice %arg6[%dma_start3A_390, %dma_start3A_391, %dma_start3A_392] : memref<10x128x64xf32, #tpu.memory_space<vmem>> -> memref<1x128x64xf32, #tpu.memory_space<vmem>>
        %dma_start3A_394 = tpu.memref_squeeze %dma_start3A_393 : memref<1x128x64xf32, #tpu.memory_space<vmem>> -> memref<128x64xf32, #tpu.memory_space<vmem>>
        %dma_start3A_395 = arith.constant 0 : i32
        %dma_start3A_396 = tpu.memref_slice %arg5[%add3A_389, %dma_start3A_395] : memref<50x128xi32, #tpu.memory_space<vmem>> -> memref<1x128xi32, #tpu.memory_space<vmem>>
        %dma_start3A_397 = tpu.memref_squeeze %dma_start3A_396 : memref<1x128xi32, #tpu.memory_space<vmem>> -> memref<128xi32, #tpu.memory_space<vmem>>
        %dma_start3A_398 = arith.constant 0 : i32
        %dma_start3A_399 = arith.constant 0 : i32
        %dma_start3A_400 = tpu.memref_slice %arg2[%dma_start3A_398, %dma_start3A_399] : memref<1000001x64xf32, #tpu.memory_space<hbm>> -> memref<1000001x64xf32, #tpu.memory_space<hbm>>
        tpu.enqueue_indirect_dma source(%dma_start3A_400 : memref<1000001x64xf32, #tpu.memory_space<hbm>>) target(%dma_start3A_394 : memref<128x64xf32, #tpu.memory_space<vmem>>) offsets(%dma_start3A_397 : memref<128xi32, #tpu.memory_space<vmem>>) semaphore(%arg9 : memref<!tpu.dma_semaphore, #tpu.memory_space<semaphore_mem>>)
      } else {
      }
      %add3A_204 = arith.constant 3 : i32
      %add3A_205 = arith.addi %add3A_130, %add3A_204 : i32
      %dma_wait3A_206 = arith.constant 3 : i32
      %dma_wait3A_207 = arith.constant 0 : i32
      %dma_wait3A_208 = arith.constant 0 : i32
      %dma_wait3A_209 = tpu.memref_slice %arg6[%dma_wait3A_206, %dma_wait3A_207, %dma_wait3A_208] : memref<10x128x64xf32, #tpu.memory_space<vmem>> -> memref<1x128x64xf32, #tpu.memory_space<vmem>>
      %dma_wait3A_210 = tpu.memref_squeeze %dma_wait3A_209 : memref<1x128x64xf32, #tpu.memory_space<vmem>> -> memref<128x64xf32, #tpu.memory_space<vmem>>
      %dma_wait3A_211 = arith.constant 0 : i32
      %dma_wait3A_212 = tpu.memref_slice %arg5[%add3A_205, %dma_wait3A_211] : memref<50x128xi32, #tpu.memory_space<vmem>> -> memref<1x128xi32, #tpu.memory_space<vmem>>
      %dma_wait3A_213 = tpu.memref_squeeze %dma_wait3A_212 : memref<1x128xi32, #tpu.memory_space<vmem>> -> memref<128xi32, #tpu.memory_space<vmem>>
      %dma_wait3A_214 = arith.constant 0 : i32
      %dma_wait3A_215 = arith.constant 0 : i32
      %dma_wait3A_216 = tpu.memref_slice %arg2[%dma_wait3A_214, %dma_wait3A_215] : memref<1000001x64xf32, #tpu.memory_space<hbm>> -> memref<1000001x64xf32, #tpu.memory_space<hbm>>
      tpu.wait_indirect_dma semaphore(%arg10 : memref<!tpu.dma_semaphore, #tpu.memory_space<semaphore_mem>>) src(%dma_wait3A_216 : memref<1000001x64xf32, #tpu.memory_space<hbm>>) dst(%dma_wait3A_210 : memref<128x64xf32, #tpu.memory_space<vmem>>)
      %mul3A_217 = arith.constant 128 : i32
      %mul3A_218 = arith.muli %add3A_205, %mul3A_217 : i32
      %add3A_219 = arith.addi %mul3A_2, %mul3A_218 : i32
      %run_scoped3A_220 = arith.constant 3 : i32
      "tpu.region"() ({
        %run_scoped3A_386 = tpu.sem_alloc : memref<!tpu.dma_semaphore, #tpu.memory_space<semaphore_mem>>
        %dma_start3A_387 = arith.constant 0 : i32
        %dma_start3A_388 = arith.constant 0 : i32
        %dma_start3A_389 = tpu.memref_slice %arg6[%run_scoped3A_220, %dma_start3A_387, %dma_start3A_388] : memref<10x128x64xf32, #tpu.memory_space<vmem>> -> memref<1x128x64xf32, #tpu.memory_space<vmem>>
        %dma_start3A_390 = tpu.memref_squeeze %dma_start3A_389 : memref<1x128x64xf32, #tpu.memory_space<vmem>> -> memref<128x64xf32, #tpu.memory_space<vmem>>
        %dma_start3A_391 = arith.constant 0 : i32
        %dma_start3A_392 = tpu.memref_slice %arg4[%add3A_219, %dma_start3A_391] : memref<204800x64xf32, #tpu.memory_space<hbm>> -> memref<128x64xf32, #tpu.memory_space<hbm>>
        %dma_start3A_393 = arith.constant 0 : i32
        %dma_start3A_394 = tpu.memref_slice %arg4[%add3A_219, %dma_start3A_393] : memref<204800x64xf32, #tpu.memory_space<hbm>> -> memref<128x64xf32, #tpu.memory_space<hbm>>
        %dma_start3A_395 = arith.constant 0 : i32
        %dma_start3A_396 = arith.constant 0 : i32
        %dma_start3A_397 = tpu.memref_slice %arg6[%run_scoped3A_220, %dma_start3A_395, %dma_start3A_396] : memref<10x128x64xf32, #tpu.memory_space<vmem>> -> memref<1x128x64xf32, #tpu.memory_space<vmem>>
        %dma_start3A_398 = tpu.memref_squeeze %dma_start3A_397 : memref<1x128x64xf32, #tpu.memory_space<vmem>> -> memref<128x64xf32, #tpu.memory_space<vmem>>
        tpu.enqueue_dma source(%dma_start3A_398 : memref<128x64xf32, #tpu.memory_space<vmem>>) target(%dma_start3A_394 : memref<128x64xf32, #tpu.memory_space<hbm>>) target_semaphore(%run_scoped3A_386 : memref<!tpu.dma_semaphore, #tpu.memory_space<semaphore_mem>>)
        %dma_wait3A_399 = arith.constant 0 : i32
        %dma_wait3A_400 = arith.constant 0 : i32
        %dma_wait3A_401 = tpu.memref_slice %arg6[%run_scoped3A_220, %dma_wait3A_399, %dma_wait3A_400] : memref<10x128x64xf32, #tpu.memory_space<vmem>> -> memref<1x128x64xf32, #tpu.memory_space<vmem>>
        %dma_wait3A_402 = tpu.memref_squeeze %dma_wait3A_401 : memref<1x128x64xf32, #tpu.memory_space<vmem>> -> memref<128x64xf32, #tpu.memory_space<vmem>>
        %dma_wait3A_403 = arith.constant 0 : i32
        %dma_wait3A_404 = tpu.memref_slice %arg4[%add3A_219, %dma_wait3A_403] : memref<204800x64xf32, #tpu.memory_space<hbm>> -> memref<128x64xf32, #tpu.memory_space<hbm>>
        %dma_wait3A_405 = arith.constant 0 : i32
        %dma_wait3A_406 = tpu.memref_slice %arg4[%add3A_219, %dma_wait3A_405] : memref<204800x64xf32, #tpu.memory_space<hbm>> -> memref<128x64xf32, #tpu.memory_space<hbm>>
        %dma_wait3A_407 = arith.constant 0 : i32
        %dma_wait3A_408 = arith.constant 0 : i32
        %dma_wait3A_409 = tpu.memref_slice %arg6[%run_scoped3A_220, %dma_wait3A_407, %dma_wait3A_408] : memref<10x128x64xf32, #tpu.memory_space<vmem>> -> memref<1x128x64xf32, #tpu.memory_space<vmem>>
        %dma_wait3A_410 = tpu.memref_squeeze %dma_wait3A_409 : memref<1x128x64xf32, #tpu.memory_space<vmem>> -> memref<128x64xf32, #tpu.memory_space<vmem>>
        tpu.wait_dma2 semaphore(%run_scoped3A_386 : memref<!tpu.dma_semaphore, #tpu.memory_space<semaphore_mem>>) src(%dma_wait3A_410 : memref<128x64xf32, #tpu.memory_space<vmem>>) dst(%dma_wait3A_406 : memref<128x64xf32, #tpu.memory_space<hbm>>)
        tpu.yield
      }) : () -> ()
      %add3A_221 = arith.constant 3 : i32
      %add3A_222 = arith.addi %add3A_130, %add3A_221 : i32
      %add3A_223 = arith.constant 10 : i32
      %add3A_224 = arith.addi %add3A_222, %add3A_223 : i32
      %lt3A_225 = arith.constant 50 : i32
      %lt3A_226 = arith.cmpi slt, %add3A_224, %lt3A_225 : i32
      %convert_element_type3A_227 = arith.extui %lt3A_226 : i1 to i32
      %cond3A_228 = arith.constant 0 : i32
      %cond3A_229 = arith.cmpi ne, %convert_element_type3A_227, %cond3A_228 : i32
      scf.if %cond3A_229 {
        %add3A_386 = arith.constant 3 : i32
        %add3A_387 = arith.addi %add3A_130, %add3A_386 : i32
        %add3A_388 = arith.constant 10 : i32
        %add3A_389 = arith.addi %add3A_387, %add3A_388 : i32
        %dma_start3A_390 = arith.constant 3 : i32
        %dma_start3A_391 = arith.constant 0 : i32
        %dma_start3A_392 = arith.constant 0 : i32
        %dma_start3A_393 = tpu.memref_slice %arg6[%dma_start3A_390, %dma_start3A_391, %dma_start3A_392] : memref<10x128x64xf32, #tpu.memory_space<vmem>> -> memref<1x128x64xf32, #tpu.memory_space<vmem>>
        %dma_start3A_394 = tpu.memref_squeeze %dma_start3A_393 : memref<1x128x64xf32, #tpu.memory_space<vmem>> -> memref<128x64xf32, #tpu.memory_space<vmem>>
        %dma_start3A_395 = arith.constant 0 : i32
        %dma_start3A_396 = tpu.memref_slice %arg5[%add3A_389, %dma_start3A_395] : memref<50x128xi32, #tpu.memory_space<vmem>> -> memref<1x128xi32, #tpu.memory_space<vmem>>
        %dma_start3A_397 = tpu.memref_squeeze %dma_start3A_396 : memref<1x128xi32, #tpu.memory_space<vmem>> -> memref<128xi32, #tpu.memory_space<vmem>>
        %dma_start3A_398 = arith.constant 0 : i32
        %dma_start3A_399 = arith.constant 0 : i32
        %dma_start3A_400 = tpu.memref_slice %arg2[%dma_start3A_398, %dma_start3A_399] : memref<1000001x64xf32, #tpu.memory_space<hbm>> -> memref<1000001x64xf32, #tpu.memory_space<hbm>>
        tpu.enqueue_indirect_dma source(%dma_start3A_400 : memref<1000001x64xf32, #tpu.memory_space<hbm>>) target(%dma_start3A_394 : memref<128x64xf32, #tpu.memory_space<vmem>>) offsets(%dma_start3A_397 : memref<128xi32, #tpu.memory_space<vmem>>) semaphore(%arg10 : memref<!tpu.dma_semaphore, #tpu.memory_space<semaphore_mem>>)
      } else {
      }
      %add3A_230 = arith.constant 4 : i32
      %add3A_231 = arith.addi %add3A_130, %add3A_230 : i32
      %dma_wait3A_232 = arith.constant 4 : i32
      %dma_wait3A_233 = arith.constant 0 : i32
      %dma_wait3A_234 = arith.constant 0 : i32
      %dma_wait3A_235 = tpu.memref_slice %arg6[%dma_wait3A_232, %dma_wait3A_233, %dma_wait3A_234] : memref<10x128x64xf32, #tpu.memory_space<vmem>> -> memref<1x128x64xf32, #tpu.memory_space<vmem>>
      %dma_wait3A_236 = tpu.memref_squeeze %dma_wait3A_235 : memref<1x128x64xf32, #tpu.memory_space<vmem>> -> memref<128x64xf32, #tpu.memory_space<vmem>>
      %dma_wait3A_237 = arith.constant 0 : i32
      %dma_wait3A_238 = tpu.memref_slice %arg5[%add3A_231, %dma_wait3A_237] : memref<50x128xi32, #tpu.memory_space<vmem>> -> memref<1x128xi32, #tpu.memory_space<vmem>>
      %dma_wait3A_239 = tpu.memref_squeeze %dma_wait3A_238 : memref<1x128xi32, #tpu.memory_space<vmem>> -> memref<128xi32, #tpu.memory_space<vmem>>
      %dma_wait3A_240 = arith.constant 0 : i32
      %dma_wait3A_241 = arith.constant 0 : i32
      %dma_wait3A_242 = tpu.memref_slice %arg2[%dma_wait3A_240, %dma_wait3A_241] : memref<1000001x64xf32, #tpu.memory_space<hbm>> -> memref<1000001x64xf32, #tpu.memory_space<hbm>>
      tpu.wait_indirect_dma semaphore(%arg11 : memref<!tpu.dma_semaphore, #tpu.memory_space<semaphore_mem>>) src(%dma_wait3A_242 : memref<1000001x64xf32, #tpu.memory_space<hbm>>) dst(%dma_wait3A_236 : memref<128x64xf32, #tpu.memory_space<vmem>>)
      %mul3A_243 = arith.constant 128 : i32
      %mul3A_244 = arith.muli %add3A_231, %mul3A_243 : i32
      %add3A_245 = arith.addi %mul3A_2, %mul3A_244 : i32
      %run_scoped3A_246 = arith.constant 4 : i32
      "tpu.region"() ({
        %run_scoped3A_386 = tpu.sem_alloc : memref<!tpu.dma_semaphore, #tpu.memory_space<semaphore_mem>>
        %dma_start3A_387 = arith.constant 0 : i32
        %dma_start3A_388 = arith.constant 0 : i32
        %dma_start3A_389 = tpu.memref_slice %arg6[%run_scoped3A_246, %dma_start3A_387, %dma_start3A_388] : memref<10x128x64xf32, #tpu.memory_space<vmem>> -> memref<1x128x64xf32, #tpu.memory_space<vmem>>
        %dma_start3A_390 = tpu.memref_squeeze %dma_start3A_389 : memref<1x128x64xf32, #tpu.memory_space<vmem>> -> memref<128x64xf32, #tpu.memory_space<vmem>>
        %dma_start3A_391 = arith.constant 0 : i32
        %dma_start3A_392 = tpu.memref_slice %arg4[%add3A_245, %dma_start3A_391] : memref<204800x64xf32, #tpu.memory_space<hbm>> -> memref<128x64xf32, #tpu.memory_space<hbm>>
        %dma_start3A_393 = arith.constant 0 : i32
        %dma_start3A_394 = tpu.memref_slice %arg4[%add3A_245, %dma_start3A_393] : memref<204800x64xf32, #tpu.memory_space<hbm>> -> memref<128x64xf32, #tpu.memory_space<hbm>>
        %dma_start3A_395 = arith.constant 0 : i32
        %dma_start3A_396 = arith.constant 0 : i32
        %dma_start3A_397 = tpu.memref_slice %arg6[%run_scoped3A_246, %dma_start3A_395, %dma_start3A_396] : memref<10x128x64xf32, #tpu.memory_space<vmem>> -> memref<1x128x64xf32, #tpu.memory_space<vmem>>
        %dma_start3A_398 = tpu.memref_squeeze %dma_start3A_397 : memref<1x128x64xf32, #tpu.memory_space<vmem>> -> memref<128x64xf32, #tpu.memory_space<vmem>>
        tpu.enqueue_dma source(%dma_start3A_398 : memref<128x64xf32, #tpu.memory_space<vmem>>) target(%dma_start3A_394 : memref<128x64xf32, #tpu.memory_space<hbm>>) target_semaphore(%run_scoped3A_386 : memref<!tpu.dma_semaphore, #tpu.memory_space<semaphore_mem>>)
        %dma_wait3A_399 = arith.constant 0 : i32
        %dma_wait3A_400 = arith.constant 0 : i32
        %dma_wait3A_401 = tpu.memref_slice %arg6[%run_scoped3A_246, %dma_wait3A_399, %dma_wait3A_400] : memref<10x128x64xf32, #tpu.memory_space<vmem>> -> memref<1x128x64xf32, #tpu.memory_space<vmem>>
        %dma_wait3A_402 = tpu.memref_squeeze %dma_wait3A_401 : memref<1x128x64xf32, #tpu.memory_space<vmem>> -> memref<128x64xf32, #tpu.memory_space<vmem>>
        %dma_wait3A_403 = arith.constant 0 : i32
        %dma_wait3A_404 = tpu.memref_slice %arg4[%add3A_245, %dma_wait3A_403] : memref<204800x64xf32, #tpu.memory_space<hbm>> -> memref<128x64xf32, #tpu.memory_space<hbm>>
        %dma_wait3A_405 = arith.constant 0 : i32
        %dma_wait3A_406 = tpu.memref_slice %arg4[%add3A_245, %dma_wait3A_405] : memref<204800x64xf32, #tpu.memory_space<hbm>> -> memref<128x64xf32, #tpu.memory_space<hbm>>
        %dma_wait3A_407 = arith.constant 0 : i32
        %dma_wait3A_408 = arith.constant 0 : i32
        %dma_wait3A_409 = tpu.memref_slice %arg6[%run_scoped3A_246, %dma_wait3A_407, %dma_wait3A_408] : memref<10x128x64xf32, #tpu.memory_space<vmem>> -> memref<1x128x64xf32, #tpu.memory_space<vmem>>
        %dma_wait3A_410 = tpu.memref_squeeze %dma_wait3A_409 : memref<1x128x64xf32, #tpu.memory_space<vmem>> -> memref<128x64xf32, #tpu.memory_space<vmem>>
        tpu.wait_dma2 semaphore(%run_scoped3A_386 : memref<!tpu.dma_semaphore, #tpu.memory_space<semaphore_mem>>) src(%dma_wait3A_410 : memref<128x64xf32, #tpu.memory_space<vmem>>) dst(%dma_wait3A_406 : memref<128x64xf32, #tpu.memory_space<hbm>>)
        tpu.yield
      }) : () -> ()
      %add3A_247 = arith.constant 4 : i32
      %add3A_248 = arith.addi %add3A_130, %add3A_247 : i32
      %add3A_249 = arith.constant 10 : i32
      %add3A_250 = arith.addi %add3A_248, %add3A_249 : i32
      %lt3A_251 = arith.constant 50 : i32
      %lt3A_252 = arith.cmpi slt, %add3A_250, %lt3A_251 : i32
      %convert_element_type3A_253 = arith.extui %lt3A_252 : i1 to i32
      %cond3A_254 = arith.constant 0 : i32
      %cond3A_255 = arith.cmpi ne, %convert_element_type3A_253, %cond3A_254 : i32
      scf.if %cond3A_255 {
        %add3A_386 = arith.constant 4 : i32
        %add3A_387 = arith.addi %add3A_130, %add3A_386 : i32
        %add3A_388 = arith.constant 10 : i32
        %add3A_389 = arith.addi %add3A_387, %add3A_388 : i32
        %dma_start3A_390 = arith.constant 4 : i32
        %dma_start3A_391 = arith.constant 0 : i32
        %dma_start3A_392 = arith.constant 0 : i32
        %dma_start3A_393 = tpu.memref_slice %arg6[%dma_start3A_390, %dma_start3A_391, %dma_start3A_392] : memref<10x128x64xf32, #tpu.memory_space<vmem>> -> memref<1x128x64xf32, #tpu.memory_space<vmem>>
        %dma_start3A_394 = tpu.memref_squeeze %dma_start3A_393 : memref<1x128x64xf32, #tpu.memory_space<vmem>> -> memref<128x64xf32, #tpu.memory_space<vmem>>
        %dma_start3A_395 = arith.constant 0 : i32
        %dma_start3A_396 = tpu.memref_slice %arg5[%add3A_389, %dma_start3A_395] : memref<50x128xi32, #tpu.memory_space<vmem>> -> memref<1x128xi32, #tpu.memory_space<vmem>>
        %dma_start3A_397 = tpu.memref_squeeze %dma_start3A_396 : memref<1x128xi32, #tpu.memory_space<vmem>> -> memref<128xi32, #tpu.memory_space<vmem>>
        %dma_start3A_398 = arith.constant 0 : i32
        %dma_start3A_399 = arith.constant 0 : i32
        %dma_start3A_400 = tpu.memref_slice %arg2[%dma_start3A_398, %dma_start3A_399] : memref<1000001x64xf32, #tpu.memory_space<hbm>> -> memref<1000001x64xf32, #tpu.memory_space<hbm>>
        tpu.enqueue_indirect_dma source(%dma_start3A_400 : memref<1000001x64xf32, #tpu.memory_space<hbm>>) target(%dma_start3A_394 : memref<128x64xf32, #tpu.memory_space<vmem>>) offsets(%dma_start3A_397 : memref<128xi32, #tpu.memory_space<vmem>>) semaphore(%arg11 : memref<!tpu.dma_semaphore, #tpu.memory_space<semaphore_mem>>)
      } else {
      }
      %add3A_256 = arith.constant 5 : i32
      %add3A_257 = arith.addi %add3A_130, %add3A_256 : i32
      %dma_wait3A_258 = arith.constant 5 : i32
      %dma_wait3A_259 = arith.constant 0 : i32
      %dma_wait3A_260 = arith.constant 0 : i32
      %dma_wait3A_261 = tpu.memref_slice %arg6[%dma_wait3A_258, %dma_wait3A_259, %dma_wait3A_260] : memref<10x128x64xf32, #tpu.memory_space<vmem>> -> memref<1x128x64xf32, #tpu.memory_space<vmem>>
      %dma_wait3A_262 = tpu.memref_squeeze %dma_wait3A_261 : memref<1x128x64xf32, #tpu.memory_space<vmem>> -> memref<128x64xf32, #tpu.memory_space<vmem>>
      %dma_wait3A_263 = arith.constant 0 : i32
      %dma_wait3A_264 = tpu.memref_slice %arg5[%add3A_257, %dma_wait3A_263] : memref<50x128xi32, #tpu.memory_space<vmem>> -> memref<1x128xi32, #tpu.memory_space<vmem>>
      %dma_wait3A_265 = tpu.memref_squeeze %dma_wait3A_264 : memref<1x128xi32, #tpu.memory_space<vmem>> -> memref<128xi32, #tpu.memory_space<vmem>>
      %dma_wait3A_266 = arith.constant 0 : i32
      %dma_wait3A_267 = arith.constant 0 : i32
      %dma_wait3A_268 = tpu.memref_slice %arg2[%dma_wait3A_266, %dma_wait3A_267] : memref<1000001x64xf32, #tpu.memory_space<hbm>> -> memref<1000001x64xf32, #tpu.memory_space<hbm>>
      tpu.wait_indirect_dma semaphore(%arg12 : memref<!tpu.dma_semaphore, #tpu.memory_space<semaphore_mem>>) src(%dma_wait3A_268 : memref<1000001x64xf32, #tpu.memory_space<hbm>>) dst(%dma_wait3A_262 : memref<128x64xf32, #tpu.memory_space<vmem>>)
      %mul3A_269 = arith.constant 128 : i32
      %mul3A_270 = arith.muli %add3A_257, %mul3A_269 : i32
      %add3A_271 = arith.addi %mul3A_2, %mul3A_270 : i32
      %run_scoped3A_272 = arith.constant 5 : i32
      "tpu.region"() ({
        %run_scoped3A_386 = tpu.sem_alloc : memref<!tpu.dma_semaphore, #tpu.memory_space<semaphore_mem>>
        %dma_start3A_387 = arith.constant 0 : i32
        %dma_start3A_388 = arith.constant 0 : i32
        %dma_start3A_389 = tpu.memref_slice %arg6[%run_scoped3A_272, %dma_start3A_387, %dma_start3A_388] : memref<10x128x64xf32, #tpu.memory_space<vmem>> -> memref<1x128x64xf32, #tpu.memory_space<vmem>>
        %dma_start3A_390 = tpu.memref_squeeze %dma_start3A_389 : memref<1x128x64xf32, #tpu.memory_space<vmem>> -> memref<128x64xf32, #tpu.memory_space<vmem>>
        %dma_start3A_391 = arith.constant 0 : i32
        %dma_start3A_392 = tpu.memref_slice %arg4[%add3A_271, %dma_start3A_391] : memref<204800x64xf32, #tpu.memory_space<hbm>> -> memref<128x64xf32, #tpu.memory_space<hbm>>
        %dma_start3A_393 = arith.constant 0 : i32
        %dma_start3A_394 = tpu.memref_slice %arg4[%add3A_271, %dma_start3A_393] : memref<204800x64xf32, #tpu.memory_space<hbm>> -> memref<128x64xf32, #tpu.memory_space<hbm>>
        %dma_start3A_395 = arith.constant 0 : i32
        %dma_start3A_396 = arith.constant 0 : i32
        %dma_start3A_397 = tpu.memref_slice %arg6[%run_scoped3A_272, %dma_start3A_395, %dma_start3A_396] : memref<10x128x64xf32, #tpu.memory_space<vmem>> -> memref<1x128x64xf32, #tpu.memory_space<vmem>>
        %dma_start3A_398 = tpu.memref_squeeze %dma_start3A_397 : memref<1x128x64xf32, #tpu.memory_space<vmem>> -> memref<128x64xf32, #tpu.memory_space<vmem>>
        tpu.enqueue_dma source(%dma_start3A_398 : memref<128x64xf32, #tpu.memory_space<vmem>>) target(%dma_start3A_394 : memref<128x64xf32, #tpu.memory_space<hbm>>) target_semaphore(%run_scoped3A_386 : memref<!tpu.dma_semaphore, #tpu.memory_space<semaphore_mem>>)
        %dma_wait3A_399 = arith.constant 0 : i32
        %dma_wait3A_400 = arith.constant 0 : i32
        %dma_wait3A_401 = tpu.memref_slice %arg6[%run_scoped3A_272, %dma_wait3A_399, %dma_wait3A_400] : memref<10x128x64xf32, #tpu.memory_space<vmem>> -> memref<1x128x64xf32, #tpu.memory_space<vmem>>
        %dma_wait3A_402 = tpu.memref_squeeze %dma_wait3A_401 : memref<1x128x64xf32, #tpu.memory_space<vmem>> -> memref<128x64xf32, #tpu.memory_space<vmem>>
        %dma_wait3A_403 = arith.constant 0 : i32
        %dma_wait3A_404 = tpu.memref_slice %arg4[%add3A_271, %dma_wait3A_403] : memref<204800x64xf32, #tpu.memory_space<hbm>> -> memref<128x64xf32, #tpu.memory_space<hbm>>
        %dma_wait3A_405 = arith.constant 0 : i32
        %dma_wait3A_406 = tpu.memref_slice %arg4[%add3A_271, %dma_wait3A_405] : memref<204800x64xf32, #tpu.memory_space<hbm>> -> memref<128x64xf32, #tpu.memory_space<hbm>>
        %dma_wait3A_407 = arith.constant 0 : i32
        %dma_wait3A_408 = arith.constant 0 : i32
        %dma_wait3A_409 = tpu.memref_slice %arg6[%run_scoped3A_272, %dma_wait3A_407, %dma_wait3A_408] : memref<10x128x64xf32, #tpu.memory_space<vmem>> -> memref<1x128x64xf32, #tpu.memory_space<vmem>>
        %dma_wait3A_410 = tpu.memref_squeeze %dma_wait3A_409 : memref<1x128x64xf32, #tpu.memory_space<vmem>> -> memref<128x64xf32, #tpu.memory_space<vmem>>
        tpu.wait_dma2 semaphore(%run_scoped3A_386 : memref<!tpu.dma_semaphore, #tpu.memory_space<semaphore_mem>>) src(%dma_wait3A_410 : memref<128x64xf32, #tpu.memory_space<vmem>>) dst(%dma_wait3A_406 : memref<128x64xf32, #tpu.memory_space<hbm>>)
        tpu.yield
      }) : () -> ()
      %add3A_273 = arith.constant 5 : i32
      %add3A_274 = arith.addi %add3A_130, %add3A_273 : i32
      %add3A_275 = arith.constant 10 : i32
      %add3A_276 = arith.addi %add3A_274, %add3A_275 : i32
      %lt3A_277 = arith.constant 50 : i32
      %lt3A_278 = arith.cmpi slt, %add3A_276, %lt3A_277 : i32
      %convert_element_type3A_279 = arith.extui %lt3A_278 : i1 to i32
      %cond3A_280 = arith.constant 0 : i32
      %cond3A_281 = arith.cmpi ne, %convert_element_type3A_279, %cond3A_280 : i32
      scf.if %cond3A_281 {
        %add3A_386 = arith.constant 5 : i32
        %add3A_387 = arith.addi %add3A_130, %add3A_386 : i32
        %add3A_388 = arith.constant 10 : i32
        %add3A_389 = arith.addi %add3A_387, %add3A_388 : i32
        %dma_start3A_390 = arith.constant 5 : i32
        %dma_start3A_391 = arith.constant 0 : i32
        %dma_start3A_392 = arith.constant 0 : i32
        %dma_start3A_393 = tpu.memref_slice %arg6[%dma_start3A_390, %dma_start3A_391, %dma_start3A_392] : memref<10x128x64xf32, #tpu.memory_space<vmem>> -> memref<1x128x64xf32, #tpu.memory_space<vmem>>
        %dma_start3A_394 = tpu.memref_squeeze %dma_start3A_393 : memref<1x128x64xf32, #tpu.memory_space<vmem>> -> memref<128x64xf32, #tpu.memory_space<vmem>>
        %dma_start3A_395 = arith.constant 0 : i32
        %dma_start3A_396 = tpu.memref_slice %arg5[%add3A_389, %dma_start3A_395] : memref<50x128xi32, #tpu.memory_space<vmem>> -> memref<1x128xi32, #tpu.memory_space<vmem>>
        %dma_start3A_397 = tpu.memref_squeeze %dma_start3A_396 : memref<1x128xi32, #tpu.memory_space<vmem>> -> memref<128xi32, #tpu.memory_space<vmem>>
        %dma_start3A_398 = arith.constant 0 : i32
        %dma_start3A_399 = arith.constant 0 : i32
        %dma_start3A_400 = tpu.memref_slice %arg2[%dma_start3A_398, %dma_start3A_399] : memref<1000001x64xf32, #tpu.memory_space<hbm>> -> memref<1000001x64xf32, #tpu.memory_space<hbm>>
        tpu.enqueue_indirect_dma source(%dma_start3A_400 : memref<1000001x64xf32, #tpu.memory_space<hbm>>) target(%dma_start3A_394 : memref<128x64xf32, #tpu.memory_space<vmem>>) offsets(%dma_start3A_397 : memref<128xi32, #tpu.memory_space<vmem>>) semaphore(%arg12 : memref<!tpu.dma_semaphore, #tpu.memory_space<semaphore_mem>>)
      } else {
      }
      %add3A_282 = arith.constant 6 : i32
      %add3A_283 = arith.addi %add3A_130, %add3A_282 : i32
      %dma_wait3A_284 = arith.constant 6 : i32
      %dma_wait3A_285 = arith.constant 0 : i32
      %dma_wait3A_286 = arith.constant 0 : i32
      %dma_wait3A_287 = tpu.memref_slice %arg6[%dma_wait3A_284, %dma_wait3A_285, %dma_wait3A_286] : memref<10x128x64xf32, #tpu.memory_space<vmem>> -> memref<1x128x64xf32, #tpu.memory_space<vmem>>
      %dma_wait3A_288 = tpu.memref_squeeze %dma_wait3A_287 : memref<1x128x64xf32, #tpu.memory_space<vmem>> -> memref<128x64xf32, #tpu.memory_space<vmem>>
      %dma_wait3A_289 = arith.constant 0 : i32
      %dma_wait3A_290 = tpu.memref_slice %arg5[%add3A_283, %dma_wait3A_289] : memref<50x128xi32, #tpu.memory_space<vmem>> -> memref<1x128xi32, #tpu.memory_space<vmem>>
      %dma_wait3A_291 = tpu.memref_squeeze %dma_wait3A_290 : memref<1x128xi32, #tpu.memory_space<vmem>> -> memref<128xi32, #tpu.memory_space<vmem>>
      %dma_wait3A_292 = arith.constant 0 : i32
      %dma_wait3A_293 = arith.constant 0 : i32
      %dma_wait3A_294 = tpu.memref_slice %arg2[%dma_wait3A_292, %dma_wait3A_293] : memref<1000001x64xf32, #tpu.memory_space<hbm>> -> memref<1000001x64xf32, #tpu.memory_space<hbm>>
      tpu.wait_indirect_dma semaphore(%arg13 : memref<!tpu.dma_semaphore, #tpu.memory_space<semaphore_mem>>) src(%dma_wait3A_294 : memref<1000001x64xf32, #tpu.memory_space<hbm>>) dst(%dma_wait3A_288 : memref<128x64xf32, #tpu.memory_space<vmem>>)
      %mul3A_295 = arith.constant 128 : i32
      %mul3A_296 = arith.muli %add3A_283, %mul3A_295 : i32
      %add3A_297 = arith.addi %mul3A_2, %mul3A_296 : i32
      %run_scoped3A_298 = arith.constant 6 : i32
      "tpu.region"() ({
        %run_scoped3A_386 = tpu.sem_alloc : memref<!tpu.dma_semaphore, #tpu.memory_space<semaphore_mem>>
        %dma_start3A_387 = arith.constant 0 : i32
        %dma_start3A_388 = arith.constant 0 : i32
        %dma_start3A_389 = tpu.memref_slice %arg6[%run_scoped3A_298, %dma_start3A_387, %dma_start3A_388] : memref<10x128x64xf32, #tpu.memory_space<vmem>> -> memref<1x128x64xf32, #tpu.memory_space<vmem>>
        %dma_start3A_390 = tpu.memref_squeeze %dma_start3A_389 : memref<1x128x64xf32, #tpu.memory_space<vmem>> -> memref<128x64xf32, #tpu.memory_space<vmem>>
        %dma_start3A_391 = arith.constant 0 : i32
        %dma_start3A_392 = tpu.memref_slice %arg4[%add3A_297, %dma_start3A_391] : memref<204800x64xf32, #tpu.memory_space<hbm>> -> memref<128x64xf32, #tpu.memory_space<hbm>>
        %dma_start3A_393 = arith.constant 0 : i32
        %dma_start3A_394 = tpu.memref_slice %arg4[%add3A_297, %dma_start3A_393] : memref<204800x64xf32, #tpu.memory_space<hbm>> -> memref<128x64xf32, #tpu.memory_space<hbm>>
        %dma_start3A_395 = arith.constant 0 : i32
        %dma_start3A_396 = arith.constant 0 : i32
        %dma_start3A_397 = tpu.memref_slice %arg6[%run_scoped3A_298, %dma_start3A_395, %dma_start3A_396] : memref<10x128x64xf32, #tpu.memory_space<vmem>> -> memref<1x128x64xf32, #tpu.memory_space<vmem>>
        %dma_start3A_398 = tpu.memref_squeeze %dma_start3A_397 : memref<1x128x64xf32, #tpu.memory_space<vmem>> -> memref<128x64xf32, #tpu.memory_space<vmem>>
        tpu.enqueue_dma source(%dma_start3A_398 : memref<128x64xf32, #tpu.memory_space<vmem>>) target(%dma_start3A_394 : memref<128x64xf32, #tpu.memory_space<hbm>>) target_semaphore(%run_scoped3A_386 : memref<!tpu.dma_semaphore, #tpu.memory_space<semaphore_mem>>)
        %dma_wait3A_399 = arith.constant 0 : i32
        %dma_wait3A_400 = arith.constant 0 : i32
        %dma_wait3A_401 = tpu.memref_slice %arg6[%run_scoped3A_298, %dma_wait3A_399, %dma_wait3A_400] : memref<10x128x64xf32, #tpu.memory_space<vmem>> -> memref<1x128x64xf32, #tpu.memory_space<vmem>>
        %dma_wait3A_402 = tpu.memref_squeeze %dma_wait3A_401 : memref<1x128x64xf32, #tpu.memory_space<vmem>> -> memref<128x64xf32, #tpu.memory_space<vmem>>
        %dma_wait3A_403 = arith.constant 0 : i32
        %dma_wait3A_404 = tpu.memref_slice %arg4[%add3A_297, %dma_wait3A_403] : memref<204800x64xf32, #tpu.memory_space<hbm>> -> memref<128x64xf32, #tpu.memory_space<hbm>>
        %dma_wait3A_405 = arith.constant 0 : i32
        %dma_wait3A_406 = tpu.memref_slice %arg4[%add3A_297, %dma_wait3A_405] : memref<204800x64xf32, #tpu.memory_space<hbm>> -> memref<128x64xf32, #tpu.memory_space<hbm>>
        %dma_wait3A_407 = arith.constant 0 : i32
        %dma_wait3A_408 = arith.constant 0 : i32
        %dma_wait3A_409 = tpu.memref_slice %arg6[%run_scoped3A_298, %dma_wait3A_407, %dma_wait3A_408] : memref<10x128x64xf32, #tpu.memory_space<vmem>> -> memref<1x128x64xf32, #tpu.memory_space<vmem>>
        %dma_wait3A_410 = tpu.memref_squeeze %dma_wait3A_409 : memref<1x128x64xf32, #tpu.memory_space<vmem>> -> memref<128x64xf32, #tpu.memory_space<vmem>>
        tpu.wait_dma2 semaphore(%run_scoped3A_386 : memref<!tpu.dma_semaphore, #tpu.memory_space<semaphore_mem>>) src(%dma_wait3A_410 : memref<128x64xf32, #tpu.memory_space<vmem>>) dst(%dma_wait3A_406 : memref<128x64xf32, #tpu.memory_space<hbm>>)
        tpu.yield
      }) : () -> ()
      %add3A_299 = arith.constant 6 : i32
      %add3A_300 = arith.addi %add3A_130, %add3A_299 : i32
      %add3A_301 = arith.constant 10 : i32
      %add3A_302 = arith.addi %add3A_300, %add3A_301 : i32
      %lt3A_303 = arith.constant 50 : i32
      %lt3A_304 = arith.cmpi slt, %add3A_302, %lt3A_303 : i32
      %convert_element_type3A_305 = arith.extui %lt3A_304 : i1 to i32
      %cond3A_306 = arith.constant 0 : i32
      %cond3A_307 = arith.cmpi ne, %convert_element_type3A_305, %cond3A_306 : i32
      scf.if %cond3A_307 {
        %add3A_386 = arith.constant 6 : i32
        %add3A_387 = arith.addi %add3A_130, %add3A_386 : i32
        %add3A_388 = arith.constant 10 : i32
        %add3A_389 = arith.addi %add3A_387, %add3A_388 : i32
        %dma_start3A_390 = arith.constant 6 : i32
        %dma_start3A_391 = arith.constant 0 : i32
        %dma_start3A_392 = arith.constant 0 : i32
        %dma_start3A_393 = tpu.memref_slice %arg6[%dma_start3A_390, %dma_start3A_391, %dma_start3A_392] : memref<10x128x64xf32, #tpu.memory_space<vmem>> -> memref<1x128x64xf32, #tpu.memory_space<vmem>>
        %dma_start3A_394 = tpu.memref_squeeze %dma_start3A_393 : memref<1x128x64xf32, #tpu.memory_space<vmem>> -> memref<128x64xf32, #tpu.memory_space<vmem>>
        %dma_start3A_395 = arith.constant 0 : i32
        %dma_start3A_396 = tpu.memref_slice %arg5[%add3A_389, %dma_start3A_395] : memref<50x128xi32, #tpu.memory_space<vmem>> -> memref<1x128xi32, #tpu.memory_space<vmem>>
        %dma_start3A_397 = tpu.memref_squeeze %dma_start3A_396 : memref<1x128xi32, #tpu.memory_space<vmem>> -> memref<128xi32, #tpu.memory_space<vmem>>
        %dma_start3A_398 = arith.constant 0 : i32
        %dma_start3A_399 = arith.constant 0 : i32
        %dma_start3A_400 = tpu.memref_slice %arg2[%dma_start3A_398, %dma_start3A_399] : memref<1000001x64xf32, #tpu.memory_space<hbm>> -> memref<1000001x64xf32, #tpu.memory_space<hbm>>
        tpu.enqueue_indirect_dma source(%dma_start3A_400 : memref<1000001x64xf32, #tpu.memory_space<hbm>>) target(%dma_start3A_394 : memref<128x64xf32, #tpu.memory_space<vmem>>) offsets(%dma_start3A_397 : memref<128xi32, #tpu.memory_space<vmem>>) semaphore(%arg13 : memref<!tpu.dma_semaphore, #tpu.memory_space<semaphore_mem>>)
      } else {
      }
      %add3A_308 = arith.constant 7 : i32
      %add3A_309 = arith.addi %add3A_130, %add3A_308 : i32
      %dma_wait3A_310 = arith.constant 7 : i32
      %dma_wait3A_311 = arith.constant 0 : i32
      %dma_wait3A_312 = arith.constant 0 : i32
      %dma_wait3A_313 = tpu.memref_slice %arg6[%dma_wait3A_310, %dma_wait3A_311, %dma_wait3A_312] : memref<10x128x64xf32, #tpu.memory_space<vmem>> -> memref<1x128x64xf32, #tpu.memory_space<vmem>>
      %dma_wait3A_314 = tpu.memref_squeeze %dma_wait3A_313 : memref<1x128x64xf32, #tpu.memory_space<vmem>> -> memref<128x64xf32, #tpu.memory_space<vmem>>
      %dma_wait3A_315 = arith.constant 0 : i32
      %dma_wait3A_316 = tpu.memref_slice %arg5[%add3A_309, %dma_wait3A_315] : memref<50x128xi32, #tpu.memory_space<vmem>> -> memref<1x128xi32, #tpu.memory_space<vmem>>
      %dma_wait3A_317 = tpu.memref_squeeze %dma_wait3A_316 : memref<1x128xi32, #tpu.memory_space<vmem>> -> memref<128xi32, #tpu.memory_space<vmem>>
      %dma_wait3A_318 = arith.constant 0 : i32
      %dma_wait3A_319 = arith.constant 0 : i32
      %dma_wait3A_320 = tpu.memref_slice %arg2[%dma_wait3A_318, %dma_wait3A_319] : memref<1000001x64xf32, #tpu.memory_space<hbm>> -> memref<1000001x64xf32, #tpu.memory_space<hbm>>
      tpu.wait_indirect_dma semaphore(%arg14 : memref<!tpu.dma_semaphore, #tpu.memory_space<semaphore_mem>>) src(%dma_wait3A_320 : memref<1000001x64xf32, #tpu.memory_space<hbm>>) dst(%dma_wait3A_314 : memref<128x64xf32, #tpu.memory_space<vmem>>)
      %mul3A_321 = arith.constant 128 : i32
      %mul3A_322 = arith.muli %add3A_309, %mul3A_321 : i32
      %add3A_323 = arith.addi %mul3A_2, %mul3A_322 : i32
      %run_scoped3A_324 = arith.constant 7 : i32
      "tpu.region"() ({
        %run_scoped3A_386 = tpu.sem_alloc : memref<!tpu.dma_semaphore, #tpu.memory_space<semaphore_mem>>
        %dma_start3A_387 = arith.constant 0 : i32
        %dma_start3A_388 = arith.constant 0 : i32
        %dma_start3A_389 = tpu.memref_slice %arg6[%run_scoped3A_324, %dma_start3A_387, %dma_start3A_388] : memref<10x128x64xf32, #tpu.memory_space<vmem>> -> memref<1x128x64xf32, #tpu.memory_space<vmem>>
        %dma_start3A_390 = tpu.memref_squeeze %dma_start3A_389 : memref<1x128x64xf32, #tpu.memory_space<vmem>> -> memref<128x64xf32, #tpu.memory_space<vmem>>
        %dma_start3A_391 = arith.constant 0 : i32
        %dma_start3A_392 = tpu.memref_slice %arg4[%add3A_323, %dma_start3A_391] : memref<204800x64xf32, #tpu.memory_space<hbm>> -> memref<128x64xf32, #tpu.memory_space<hbm>>
        %dma_start3A_393 = arith.constant 0 : i32
        %dma_start3A_394 = tpu.memref_slice %arg4[%add3A_323, %dma_start3A_393] : memref<204800x64xf32, #tpu.memory_space<hbm>> -> memref<128x64xf32, #tpu.memory_space<hbm>>
        %dma_start3A_395 = arith.constant 0 : i32
        %dma_start3A_396 = arith.constant 0 : i32
        %dma_start3A_397 = tpu.memref_slice %arg6[%run_scoped3A_324, %dma_start3A_395, %dma_start3A_396] : memref<10x128x64xf32, #tpu.memory_space<vmem>> -> memref<1x128x64xf32, #tpu.memory_space<vmem>>
        %dma_start3A_398 = tpu.memref_squeeze %dma_start3A_397 : memref<1x128x64xf32, #tpu.memory_space<vmem>> -> memref<128x64xf32, #tpu.memory_space<vmem>>
        tpu.enqueue_dma source(%dma_start3A_398 : memref<128x64xf32, #tpu.memory_space<vmem>>) target(%dma_start3A_394 : memref<128x64xf32, #tpu.memory_space<hbm>>) target_semaphore(%run_scoped3A_386 : memref<!tpu.dma_semaphore, #tpu.memory_space<semaphore_mem>>)
        %dma_wait3A_399 = arith.constant 0 : i32
        %dma_wait3A_400 = arith.constant 0 : i32
        %dma_wait3A_401 = tpu.memref_slice %arg6[%run_scoped3A_324, %dma_wait3A_399, %dma_wait3A_400] : memref<10x128x64xf32, #tpu.memory_space<vmem>> -> memref<1x128x64xf32, #tpu.memory_space<vmem>>
        %dma_wait3A_402 = tpu.memref_squeeze %dma_wait3A_401 : memref<1x128x64xf32, #tpu.memory_space<vmem>> -> memref<128x64xf32, #tpu.memory_space<vmem>>
        %dma_wait3A_403 = arith.constant 0 : i32
        %dma_wait3A_404 = tpu.memref_slice %arg4[%add3A_323, %dma_wait3A_403] : memref<204800x64xf32, #tpu.memory_space<hbm>> -> memref<128x64xf32, #tpu.memory_space<hbm>>
        %dma_wait3A_405 = arith.constant 0 : i32
        %dma_wait3A_406 = tpu.memref_slice %arg4[%add3A_323, %dma_wait3A_405] : memref<204800x64xf32, #tpu.memory_space<hbm>> -> memref<128x64xf32, #tpu.memory_space<hbm>>
        %dma_wait3A_407 = arith.constant 0 : i32
        %dma_wait3A_408 = arith.constant 0 : i32
        %dma_wait3A_409 = tpu.memref_slice %arg6[%run_scoped3A_324, %dma_wait3A_407, %dma_wait3A_408] : memref<10x128x64xf32, #tpu.memory_space<vmem>> -> memref<1x128x64xf32, #tpu.memory_space<vmem>>
        %dma_wait3A_410 = tpu.memref_squeeze %dma_wait3A_409 : memref<1x128x64xf32, #tpu.memory_space<vmem>> -> memref<128x64xf32, #tpu.memory_space<vmem>>
        tpu.wait_dma2 semaphore(%run_scoped3A_386 : memref<!tpu.dma_semaphore, #tpu.memory_space<semaphore_mem>>) src(%dma_wait3A_410 : memref<128x64xf32, #tpu.memory_space<vmem>>) dst(%dma_wait3A_406 : memref<128x64xf32, #tpu.memory_space<hbm>>)
        tpu.yield
      }) : () -> ()
      %add3A_325 = arith.constant 7 : i32
      %add3A_326 = arith.addi %add3A_130, %add3A_325 : i32
      %add3A_327 = arith.constant 10 : i32
      %add3A_328 = arith.addi %add3A_326, %add3A_327 : i32
      %lt3A_329 = arith.constant 50 : i32
      %lt3A_330 = arith.cmpi slt, %add3A_328, %lt3A_329 : i32
      %convert_element_type3A_331 = arith.extui %lt3A_330 : i1 to i32
      %cond3A_332 = arith.constant 0 : i32
      %cond3A_333 = arith.cmpi ne, %convert_element_type3A_331, %cond3A_332 : i32
      scf.if %cond3A_333 {
        %add3A_386 = arith.constant 7 : i32
        %add3A_387 = arith.addi %add3A_130, %add3A_386 : i32
        %add3A_388 = arith.constant 10 : i32
        %add3A_389 = arith.addi %add3A_387, %add3A_388 : i32
        %dma_start3A_390 = arith.constant 7 : i32
        %dma_start3A_391 = arith.constant 0 : i32
        %dma_start3A_392 = arith.constant 0 : i32
        %dma_start3A_393 = tpu.memref_slice %arg6[%dma_start3A_390, %dma_start3A_391, %dma_start3A_392] : memref<10x128x64xf32, #tpu.memory_space<vmem>> -> memref<1x128x64xf32, #tpu.memory_space<vmem>>
        %dma_start3A_394 = tpu.memref_squeeze %dma_start3A_393 : memref<1x128x64xf32, #tpu.memory_space<vmem>> -> memref<128x64xf32, #tpu.memory_space<vmem>>
        %dma_start3A_395 = arith.constant 0 : i32
        %dma_start3A_396 = tpu.memref_slice %arg5[%add3A_389, %dma_start3A_395] : memref<50x128xi32, #tpu.memory_space<vmem>> -> memref<1x128xi32, #tpu.memory_space<vmem>>
        %dma_start3A_397 = tpu.memref_squeeze %dma_start3A_396 : memref<1x128xi32, #tpu.memory_space<vmem>> -> memref<128xi32, #tpu.memory_space<vmem>>
        %dma_start3A_398 = arith.constant 0 : i32
        %dma_start3A_399 = arith.constant 0 : i32
        %dma_start3A_400 = tpu.memref_slice %arg2[%dma_start3A_398, %dma_start3A_399] : memref<1000001x64xf32, #tpu.memory_space<hbm>> -> memref<1000001x64xf32, #tpu.memory_space<hbm>>
        tpu.enqueue_indirect_dma source(%dma_start3A_400 : memref<1000001x64xf32, #tpu.memory_space<hbm>>) target(%dma_start3A_394 : memref<128x64xf32, #tpu.memory_space<vmem>>) offsets(%dma_start3A_397 : memref<128xi32, #tpu.memory_space<vmem>>) semaphore(%arg14 : memref<!tpu.dma_semaphore, #tpu.memory_space<semaphore_mem>>)
      } else {
      }
      %add3A_334 = arith.constant 8 : i32
      %add3A_335 = arith.addi %add3A_130, %add3A_334 : i32
      %dma_wait3A_336 = arith.constant 8 : i32
      %dma_wait3A_337 = arith.constant 0 : i32
      %dma_wait3A_338 = arith.constant 0 : i32
      %dma_wait3A_339 = tpu.memref_slice %arg6[%dma_wait3A_336, %dma_wait3A_337, %dma_wait3A_338] : memref<10x128x64xf32, #tpu.memory_space<vmem>> -> memref<1x128x64xf32, #tpu.memory_space<vmem>>
      %dma_wait3A_340 = tpu.memref_squeeze %dma_wait3A_339 : memref<1x128x64xf32, #tpu.memory_space<vmem>> -> memref<128x64xf32, #tpu.memory_space<vmem>>
      %dma_wait3A_341 = arith.constant 0 : i32
      %dma_wait3A_342 = tpu.memref_slice %arg5[%add3A_335, %dma_wait3A_341] : memref<50x128xi32, #tpu.memory_space<vmem>> -> memref<1x128xi32, #tpu.memory_space<vmem>>
      %dma_wait3A_343 = tpu.memref_squeeze %dma_wait3A_342 : memref<1x128xi32, #tpu.memory_space<vmem>> -> memref<128xi32, #tpu.memory_space<vmem>>
      %dma_wait3A_344 = arith.constant 0 : i32
      %dma_wait3A_345 = arith.constant 0 : i32
      %dma_wait3A_346 = tpu.memref_slice %arg2[%dma_wait3A_344, %dma_wait3A_345] : memref<1000001x64xf32, #tpu.memory_space<hbm>> -> memref<1000001x64xf32, #tpu.memory_space<hbm>>
      tpu.wait_indirect_dma semaphore(%arg15 : memref<!tpu.dma_semaphore, #tpu.memory_space<semaphore_mem>>) src(%dma_wait3A_346 : memref<1000001x64xf32, #tpu.memory_space<hbm>>) dst(%dma_wait3A_340 : memref<128x64xf32, #tpu.memory_space<vmem>>)
      %mul3A_347 = arith.constant 128 : i32
      %mul3A_348 = arith.muli %add3A_335, %mul3A_347 : i32
      %add3A_349 = arith.addi %mul3A_2, %mul3A_348 : i32
      %run_scoped3A_350 = arith.constant 8 : i32
      "tpu.region"() ({
        %run_scoped3A_386 = tpu.sem_alloc : memref<!tpu.dma_semaphore, #tpu.memory_space<semaphore_mem>>
        %dma_start3A_387 = arith.constant 0 : i32
        %dma_start3A_388 = arith.constant 0 : i32
        %dma_start3A_389 = tpu.memref_slice %arg6[%run_scoped3A_350, %dma_start3A_387, %dma_start3A_388] : memref<10x128x64xf32, #tpu.memory_space<vmem>> -> memref<1x128x64xf32, #tpu.memory_space<vmem>>
        %dma_start3A_390 = tpu.memref_squeeze %dma_start3A_389 : memref<1x128x64xf32, #tpu.memory_space<vmem>> -> memref<128x64xf32, #tpu.memory_space<vmem>>
        %dma_start3A_391 = arith.constant 0 : i32
        %dma_start3A_392 = tpu.memref_slice %arg4[%add3A_349, %dma_start3A_391] : memref<204800x64xf32, #tpu.memory_space<hbm>> -> memref<128x64xf32, #tpu.memory_space<hbm>>
        %dma_start3A_393 = arith.constant 0 : i32
        %dma_start3A_394 = tpu.memref_slice %arg4[%add3A_349, %dma_start3A_393] : memref<204800x64xf32, #tpu.memory_space<hbm>> -> memref<128x64xf32, #tpu.memory_space<hbm>>
        %dma_start3A_395 = arith.constant 0 : i32
        %dma_start3A_396 = arith.constant 0 : i32
        %dma_start3A_397 = tpu.memref_slice %arg6[%run_scoped3A_350, %dma_start3A_395, %dma_start3A_396] : memref<10x128x64xf32, #tpu.memory_space<vmem>> -> memref<1x128x64xf32, #tpu.memory_space<vmem>>
        %dma_start3A_398 = tpu.memref_squeeze %dma_start3A_397 : memref<1x128x64xf32, #tpu.memory_space<vmem>> -> memref<128x64xf32, #tpu.memory_space<vmem>>
        tpu.enqueue_dma source(%dma_start3A_398 : memref<128x64xf32, #tpu.memory_space<vmem>>) target(%dma_start3A_394 : memref<128x64xf32, #tpu.memory_space<hbm>>) target_semaphore(%run_scoped3A_386 : memref<!tpu.dma_semaphore, #tpu.memory_space<semaphore_mem>>)
        %dma_wait3A_399 = arith.constant 0 : i32
        %dma_wait3A_400 = arith.constant 0 : i32
        %dma_wait3A_401 = tpu.memref_slice %arg6[%run_scoped3A_350, %dma_wait3A_399, %dma_wait3A_400] : memref<10x128x64xf32, #tpu.memory_space<vmem>> -> memref<1x128x64xf32, #tpu.memory_space<vmem>>
        %dma_wait3A_402 = tpu.memref_squeeze %dma_wait3A_401 : memref<1x128x64xf32, #tpu.memory_space<vmem>> -> memref<128x64xf32, #tpu.memory_space<vmem>>
        %dma_wait3A_403 = arith.constant 0 : i32
        %dma_wait3A_404 = tpu.memref_slice %arg4[%add3A_349, %dma_wait3A_403] : memref<204800x64xf32, #tpu.memory_space<hbm>> -> memref<128x64xf32, #tpu.memory_space<hbm>>
        %dma_wait3A_405 = arith.constant 0 : i32
        %dma_wait3A_406 = tpu.memref_slice %arg4[%add3A_349, %dma_wait3A_405] : memref<204800x64xf32, #tpu.memory_space<hbm>> -> memref<128x64xf32, #tpu.memory_space<hbm>>
        %dma_wait3A_407 = arith.constant 0 : i32
        %dma_wait3A_408 = arith.constant 0 : i32
        %dma_wait3A_409 = tpu.memref_slice %arg6[%run_scoped3A_350, %dma_wait3A_407, %dma_wait3A_408] : memref<10x128x64xf32, #tpu.memory_space<vmem>> -> memref<1x128x64xf32, #tpu.memory_space<vmem>>
        %dma_wait3A_410 = tpu.memref_squeeze %dma_wait3A_409 : memref<1x128x64xf32, #tpu.memory_space<vmem>> -> memref<128x64xf32, #tpu.memory_space<vmem>>
        tpu.wait_dma2 semaphore(%run_scoped3A_386 : memref<!tpu.dma_semaphore, #tpu.memory_space<semaphore_mem>>) src(%dma_wait3A_410 : memref<128x64xf32, #tpu.memory_space<vmem>>) dst(%dma_wait3A_406 : memref<128x64xf32, #tpu.memory_space<hbm>>)
        tpu.yield
      }) : () -> ()
      %add3A_351 = arith.constant 8 : i32
      %add3A_352 = arith.addi %add3A_130, %add3A_351 : i32
      %add3A_353 = arith.constant 10 : i32
      %add3A_354 = arith.addi %add3A_352, %add3A_353 : i32
      %lt3A_355 = arith.constant 50 : i32
      %lt3A_356 = arith.cmpi slt, %add3A_354, %lt3A_355 : i32
      %convert_element_type3A_357 = arith.extui %lt3A_356 : i1 to i32
      %cond3A_358 = arith.constant 0 : i32
      %cond3A_359 = arith.cmpi ne, %convert_element_type3A_357, %cond3A_358 : i32
      scf.if %cond3A_359 {
        %add3A_386 = arith.constant 8 : i32
        %add3A_387 = arith.addi %add3A_130, %add3A_386 : i32
        %add3A_388 = arith.constant 10 : i32
        %add3A_389 = arith.addi %add3A_387, %add3A_388 : i32
        %dma_start3A_390 = arith.constant 8 : i32
        %dma_start3A_391 = arith.constant 0 : i32
        %dma_start3A_392 = arith.constant 0 : i32
        %dma_start3A_393 = tpu.memref_slice %arg6[%dma_start3A_390, %dma_start3A_391, %dma_start3A_392] : memref<10x128x64xf32, #tpu.memory_space<vmem>> -> memref<1x128x64xf32, #tpu.memory_space<vmem>>
        %dma_start3A_394 = tpu.memref_squeeze %dma_start3A_393 : memref<1x128x64xf32, #tpu.memory_space<vmem>> -> memref<128x64xf32, #tpu.memory_space<vmem>>
        %dma_start3A_395 = arith.constant 0 : i32
        %dma_start3A_396 = tpu.memref_slice %arg5[%add3A_389, %dma_start3A_395] : memref<50x128xi32, #tpu.memory_space<vmem>> -> memref<1x128xi32, #tpu.memory_space<vmem>>
        %dma_start3A_397 = tpu.memref_squeeze %dma_start3A_396 : memref<1x128xi32, #tpu.memory_space<vmem>> -> memref<128xi32, #tpu.memory_space<vmem>>
        %dma_start3A_398 = arith.constant 0 : i32
        %dma_start3A_399 = arith.constant 0 : i32
        %dma_start3A_400 = tpu.memref_slice %arg2[%dma_start3A_398, %dma_start3A_399] : memref<1000001x64xf32, #tpu.memory_space<hbm>> -> memref<1000001x64xf32, #tpu.memory_space<hbm>>
        tpu.enqueue_indirect_dma source(%dma_start3A_400 : memref<1000001x64xf32, #tpu.memory_space<hbm>>) target(%dma_start3A_394 : memref<128x64xf32, #tpu.memory_space<vmem>>) offsets(%dma_start3A_397 : memref<128xi32, #tpu.memory_space<vmem>>) semaphore(%arg15 : memref<!tpu.dma_semaphore, #tpu.memory_space<semaphore_mem>>)
      } else {
      }
      %add3A_360 = arith.constant 9 : i32
      %add3A_361 = arith.addi %add3A_130, %add3A_360 : i32
      %dma_wait3A_362 = arith.constant 9 : i32
      %dma_wait3A_363 = arith.constant 0 : i32
      %dma_wait3A_364 = arith.constant 0 : i32
      %dma_wait3A_365 = tpu.memref_slice %arg6[%dma_wait3A_362, %dma_wait3A_363, %dma_wait3A_364] : memref<10x128x64xf32, #tpu.memory_space<vmem>> -> memref<1x128x64xf32, #tpu.memory_space<vmem>>
      %dma_wait3A_366 = tpu.memref_squeeze %dma_wait3A_365 : memref<1x128x64xf32, #tpu.memory_space<vmem>> -> memref<128x64xf32, #tpu.memory_space<vmem>>
      %dma_wait3A_367 = arith.constant 0 : i32
      %dma_wait3A_368 = tpu.memref_slice %arg5[%add3A_361, %dma_wait3A_367] : memref<50x128xi32, #tpu.memory_space<vmem>> -> memref<1x128xi32, #tpu.memory_space<vmem>>
      %dma_wait3A_369 = tpu.memref_squeeze %dma_wait3A_368 : memref<1x128xi32, #tpu.memory_space<vmem>> -> memref<128xi32, #tpu.memory_space<vmem>>
      %dma_wait3A_370 = arith.constant 0 : i32
      %dma_wait3A_371 = arith.constant 0 : i32
      %dma_wait3A_372 = tpu.memref_slice %arg2[%dma_wait3A_370, %dma_wait3A_371] : memref<1000001x64xf32, #tpu.memory_space<hbm>> -> memref<1000001x64xf32, #tpu.memory_space<hbm>>
      tpu.wait_indirect_dma semaphore(%arg16 : memref<!tpu.dma_semaphore, #tpu.memory_space<semaphore_mem>>) src(%dma_wait3A_372 : memref<1000001x64xf32, #tpu.memory_space<hbm>>) dst(%dma_wait3A_366 : memref<128x64xf32, #tpu.memory_space<vmem>>)
      %mul3A_373 = arith.constant 128 : i32
      %mul3A_374 = arith.muli %add3A_361, %mul3A_373 : i32
      %add3A_375 = arith.addi %mul3A_2, %mul3A_374 : i32
      %run_scoped3A_376 = arith.constant 9 : i32
      "tpu.region"() ({
        %run_scoped3A_386 = tpu.sem_alloc : memref<!tpu.dma_semaphore, #tpu.memory_space<semaphore_mem>>
        %dma_start3A_387 = arith.constant 0 : i32
        %dma_start3A_388 = arith.constant 0 : i32
        %dma_start3A_389 = tpu.memref_slice %arg6[%run_scoped3A_376, %dma_start3A_387, %dma_start3A_388] : memref<10x128x64xf32, #tpu.memory_space<vmem>> -> memref<1x128x64xf32, #tpu.memory_space<vmem>>
        %dma_start3A_390 = tpu.memref_squeeze %dma_start3A_389 : memref<1x128x64xf32, #tpu.memory_space<vmem>> -> memref<128x64xf32, #tpu.memory_space<vmem>>
        %dma_start3A_391 = arith.constant 0 : i32
        %dma_start3A_392 = tpu.memref_slice %arg4[%add3A_375, %dma_start3A_391] : memref<204800x64xf32, #tpu.memory_space<hbm>> -> memref<128x64xf32, #tpu.memory_space<hbm>>
        %dma_start3A_393 = arith.constant 0 : i32
        %dma_start3A_394 = tpu.memref_slice %arg4[%add3A_375, %dma_start3A_393] : memref<204800x64xf32, #tpu.memory_space<hbm>> -> memref<128x64xf32, #tpu.memory_space<hbm>>
        %dma_start3A_395 = arith.constant 0 : i32
        %dma_start3A_396 = arith.constant 0 : i32
        %dma_start3A_397 = tpu.memref_slice %arg6[%run_scoped3A_376, %dma_start3A_395, %dma_start3A_396] : memref<10x128x64xf32, #tpu.memory_space<vmem>> -> memref<1x128x64xf32, #tpu.memory_space<vmem>>
        %dma_start3A_398 = tpu.memref_squeeze %dma_start3A_397 : memref<1x128x64xf32, #tpu.memory_space<vmem>> -> memref<128x64xf32, #tpu.memory_space<vmem>>
        tpu.enqueue_dma source(%dma_start3A_398 : memref<128x64xf32, #tpu.memory_space<vmem>>) target(%dma_start3A_394 : memref<128x64xf32, #tpu.memory_space<hbm>>) target_semaphore(%run_scoped3A_386 : memref<!tpu.dma_semaphore, #tpu.memory_space<semaphore_mem>>)
        %dma_wait3A_399 = arith.constant 0 : i32
        %dma_wait3A_400 = arith.constant 0 : i32
        %dma_wait3A_401 = tpu.memref_slice %arg6[%run_scoped3A_376, %dma_wait3A_399, %dma_wait3A_400] : memref<10x128x64xf32, #tpu.memory_space<vmem>> -> memref<1x128x64xf32, #tpu.memory_space<vmem>>
        %dma_wait3A_402 = tpu.memref_squeeze %dma_wait3A_401 : memref<1x128x64xf32, #tpu.memory_space<vmem>> -> memref<128x64xf32, #tpu.memory_space<vmem>>
        %dma_wait3A_403 = arith.constant 0 : i32
        %dma_wait3A_404 = tpu.memref_slice %arg4[%add3A_375, %dma_wait3A_403] : memref<204800x64xf32, #tpu.memory_space<hbm>> -> memref<128x64xf32, #tpu.memory_space<hbm>>
        %dma_wait3A_405 = arith.constant 0 : i32
        %dma_wait3A_406 = tpu.memref_slice %arg4[%add3A_375, %dma_wait3A_405] : memref<204800x64xf32, #tpu.memory_space<hbm>> -> memref<128x64xf32, #tpu.memory_space<hbm>>
        %dma_wait3A_407 = arith.constant 0 : i32
        %dma_wait3A_408 = arith.constant 0 : i32
        %dma_wait3A_409 = tpu.memref_slice %arg6[%run_scoped3A_376, %dma_wait3A_407, %dma_wait3A_408] : memref<10x128x64xf32, #tpu.memory_space<vmem>> -> memref<1x128x64xf32, #tpu.memory_space<vmem>>
        %dma_wait3A_410 = tpu.memref_squeeze %dma_wait3A_409 : memref<1x128x64xf32, #tpu.memory_space<vmem>> -> memref<128x64xf32, #tpu.memory_space<vmem>>
        tpu.wait_dma2 semaphore(%run_scoped3A_386 : memref<!tpu.dma_semaphore, #tpu.memory_space<semaphore_mem>>) src(%dma_wait3A_410 : memref<128x64xf32, #tpu.memory_space<vmem>>) dst(%dma_wait3A_406 : memref<128x64xf32, #tpu.memory_space<hbm>>)
        tpu.yield
      }) : () -> ()
      %add3A_377 = arith.constant 9 : i32
      %add3A_378 = arith.addi %add3A_130, %add3A_377 : i32
      %add3A_379 = arith.constant 10 : i32
      %add3A_380 = arith.addi %add3A_378, %add3A_379 : i32
      %lt3A_381 = arith.constant 50 : i32
      %lt3A_382 = arith.cmpi slt, %add3A_380, %lt3A_381 : i32
      %convert_element_type3A_383 = arith.extui %lt3A_382 : i1 to i32
      %cond3A_384 = arith.constant 0 : i32
      %cond3A_385 = arith.cmpi ne, %convert_element_type3A_383, %cond3A_384 : i32
      scf.if %cond3A_385 {
        %add3A_386 = arith.constant 9 : i32
        %add3A_387 = arith.addi %add3A_130, %add3A_386 : i32
        %add3A_388 = arith.constant 10 : i32
        %add3A_389 = arith.addi %add3A_387, %add3A_388 : i32
        %dma_start3A_390 = arith.constant 9 : i32
        %dma_start3A_391 = arith.constant 0 : i32
        %dma_start3A_392 = arith.constant 0 : i32
        %dma_start3A_393 = tpu.memref_slice %arg6[%dma_start3A_390, %dma_start3A_391, %dma_start3A_392] : memref<10x128x64xf32, #tpu.memory_space<vmem>> -> memref<1x128x64xf32, #tpu.memory_space<vmem>>
        %dma_start3A_394 = tpu.memref_squeeze %dma_start3A_393 : memref<1x128x64xf32, #tpu.memory_space<vmem>> -> memref<128x64xf32, #tpu.memory_space<vmem>>
        %dma_start3A_395 = arith.constant 0 : i32
        %dma_start3A_396 = tpu.memref_slice %arg5[%add3A_389, %dma_start3A_395] : memref<50x128xi32, #tpu.memory_space<vmem>> -> memref<1x128xi32, #tpu.memory_space<vmem>>
        %dma_start3A_397 = tpu.memref_squeeze %dma_start3A_396 : memref<1x128xi32, #tpu.memory_space<vmem>> -> memref<128xi32, #tpu.memory_space<vmem>>
        %dma_start3A_398 = arith.constant 0 : i32
        %dma_start3A_399 = arith.constant 0 : i32
        %dma_start3A_400 = tpu.memref_slice %arg2[%dma_start3A_398, %dma_start3A_399] : memref<1000001x64xf32, #tpu.memory_space<hbm>> -> memref<1000001x64xf32, #tpu.memory_space<hbm>>
        tpu.enqueue_indirect_dma source(%dma_start3A_400 : memref<1000001x64xf32, #tpu.memory_space<hbm>>) target(%dma_start3A_394 : memref<128x64xf32, #tpu.memory_space<vmem>>) offsets(%dma_start3A_397 : memref<128xi32, #tpu.memory_space<vmem>>) semaphore(%arg16 : memref<!tpu.dma_semaphore, #tpu.memory_space<semaphore_mem>>)
      } else {
      }
    }
    %scan3A_125 = arith.constant 5 : i32
    return
  }
}

</mosaic_0001>

<sc_bundles>
// kernel: kernel.3.cloned.1.call-start
scs
__scs_entry_jumppad:
0x0: {  	(pc) =	sbr.rel $0x88, $3  }
0x1: {  	(tag) =	ssettag $0x0;
	lr =	simm.s32 $0x1  }
0x2: {  	[smem:$0x3F9F] =	sst lr;
	_ =	strace $0xD0000000  }
0x3: {  	_ = 	snop  }
0x4: {  	_ = 	snop  }
0x5: {  	_ = 	snop  }
0x6: {  	_ = 	snop  }
0x7: {  	_ = 	snop  }
__scs_overlays_trampoline_lowered:
0x8: {  	[smem:$0x3FAE] =	sst s0  }
0x9: {  	[smem:$0x3FAF] =	sst s1  }
0xa: {  	[smem:$0x3FB0] =	sst s2  }
0xb: {  	[smem:$0x3FB1] =	sst s3  }
0xc: {  	[smem:$0x3FB2] =	sst s4  }
0xd: {  	[smem:$0x3FB3] =	sst s5  }
0xe: {  	[smem:$0x3FB4] =	sst s6  }
0xf: {  	[smem:$0x3FB5] =	sst s7  }
0x10: {  	[smem:$0x3FB6] =	sst s8  }
0x11: {  	[smem:$0x3FB7] =	sst s9;
	s0 =	simm.s32 @!p0 $0x0  }
0x12: {  	s1 =	sld [smem:$0x3F9D];
	s0 =	simm.s32 @p0 $0x1  }
0x13: {  	[smem:$0x3FB8] =	sst s0;
	s0 =	simm.s32 @!p1 $0x0  }
0x14: {  	s2 =	sld [smem:$0x3F9C];
	s0 =	simm.s32 @p1 $0x1  }
0x15: {  	[smem:$0x3FB9] =	sst s0;
	s0 =	simm.s32 @!p2 $0x0  }
0x16: {  	s3 =	sld [smem:$0x3FDB];
	s0 =	simm.s32 @p2 $0x1  }
0x17: {  	s4 =	simm.s32 $0x1BF5;
	[smem:$0x3FBB] =	sst s0  }
0x18: {  	s0 =	sld [smem:$0x3F9E];
	_ =	swait.ge [sflag:s4], $0x0  }
0x19: {  	s7 =	sld [smem:$0x3F9F]  }
0x1a: {  	s8 =	sadd.s32 $0xFFFFE003, lr  }
0x1b: {  	s9 =	sadd.s32 $0xFFFFFEF7, lr;
	s5 =	simm.s32 $0xFFFFFFFF;
	p2 =	slt.u32 s8, $0xFFFFF086  }
0x1c: {  	p1 =	slt.u32 s9, $0xF7A;
	s5 =	simm.s32 @!p2 $0x0  }
0x1d: {  	s5 =	simm.s32 @p1 $0x1;
	p0 =	seq.s32 s7, s2  }
0x1e: {  	s7 =	smul.u32 @!p0 $0xF7A, s2;
	p2 =	seq.s32 @!p0 s5, $0x0  }
0x1f: {  	s9 =	smul.u32 $0xF7A, s1;
	s8 =	simm.s32 @!p0 $0x1BF5;
	p2 =	por !p2, p0  }
0x20: {  	[sflag:s8] =	ssyncset.s32 @!p0 $0xFFFFF086;
	s6 =	sadd.s32 @!p0 s3, s7;
	s7 =	simm.s32 @!p0 $0x108  }
0x21: {  	s3 =	sadd.s32 s3, s9;
	s6 =	sadd.s32 @!p0 $0x88, s6;
	s7 =	simm.s32 @p2 $0x1082  }
0x22: {  	[simem:s7], [sflag:s8] =	dma.local @!p0 [hbm:s6], $0xF7A  }
0x23: {  	s9 =	sor.u32 $0xD0000000, s2;
	s6 =	simm.s32 $0x108;
	_ =	swait.ge @!p0 [sflag:s8], $0x0  }
0x24: {  	s3 =	sadd.s32 $0x88, s3;
	s6 =	simm.s32 @!p1 $0x1082;
	[sflag:s4] =	ssyncset.s32 $0xFFFFF086  }
0x25: {  	[simem:s6], [sflag:s4] =	dma.local [hbm:s3], $0xF7A  }
0x26: {  	[smem:$0x3F9F] =	sst s1;
	(tag) =	ssettag s2;
	_ =	strace s9  }
0x27: {  	s1 =	sld [smem:$0x3FAF]  }
0x28: {  	s2 =	sld [smem:$0x3FB0]  }
0x29: {  	s4 =	sld [smem:$0x3FB2]  }
0x2a: {  	p0 =	seq.s32 s5, $0x0;
	s5 =	sld [smem:$0x3FB3]  }
0x2b: {  	s6 =	sld [smem:$0x3FB4]  }
0x2c: {  	s7 =	sld [smem:$0x3FB5]  }
0x2d: {  	s3 =	simm.s32 $0x108;
	s8 =	sld [smem:$0x3FB6]  }
0x2e: {  	s3 =	simm.s32 @!p0 $0x1082;
	s9 =	sld [smem:$0x3FB7]  }
0x2f: {  	lr =	sadd.s32 s0, s3;
	s0 =	sld [smem:$0x3FAE]  }
0x30: {  	s3 =	sld [smem:$0x3FB1]  }
0x31: {  	[smem:$0x3FBA] =	sst s10  }
0x32: {  	s10 =	sld [smem:$0x3FB8];
	_ =	sdelay $0x3  }
0x33: {  	p0 =	seq.s32 s10, $0x1;
	s10 =	sld [smem:$0x3FBA];
	_ =	sdelay $0x3  }
0x34: {  	[smem:$0x3FBA] =	sst s10  }
0x35: {  	s10 =	sld [smem:$0x3FB9];
	_ =	sdelay $0x3  }
0x36: {  	p1 =	seq.s32 s10, $0x1;
	s10 =	sld [smem:$0x3FBA];
	_ =	sdelay $0x3  }
0x37: {  	[smem:$0x3FBA] =	sst s10  }
0x38: {  	s10 =	sld [smem:$0x3FBB]  }
0x39: {  	_ = 	snop;
	(pc) =	sbr.ind lr, $3  }
0x3a: {  	_ = 	snop  }
0x3b: {  	_ = 	snop  }
0x3c: {  	p2 =	seq.s32 s10, $0x1;
	s10 =	sld [smem:$0x3FBA]  }
0x3d: {  	_ =	shalt  }
0x3e: {  	_ =	shalt  }
0x3f: {  	_ =	shalt  }
0x40: {  	_ =	shalt  }
0x41: {  	_ =	shalt  }
0x42: {  	_ =	shalt  }
0x43: {  	_ =	shalt  }
0x44: {  	_ =	shalt  }
0x45: {  	_ =	shalt  }
0x46: {  	_ =	shalt  }
0x47: {  	_ =	shalt  }
0x48: {  	_ =	shalt  }
0x49: {  	_ =	shalt  }
0x4a: {  	_ =	shalt  }
0x4b: {  	_ =	shalt  }
0x4c: {  	_ =	shalt  }
0x4d: {  	_ =	shalt  }
0x4e: {  	_ =	shalt  }
0x4f: {  	_ =	shalt  }
0x50: {  	_ =	shalt  }
0x51: {  	_ =	shalt  }
0x52: {  	_ =	shalt  }
0x53: {  	_ =	shalt  }
0x54: {  	_ =	shalt  }
0x55: {  	_ =	shalt  }
0x56: {  	_ =	shalt  }
0x57: {  	_ =	shalt  }
0x58: {  	_ =	shalt  }
0x59: {  	_ =	shalt  }
0x5a: {  	_ =	shalt  }
0x5b: {  	_ =	shalt  }
0x5c: {  	_ =	shalt  }
0x5d: {  	_ =	shalt  }
0x5e: {  	_ =	shalt  }
0x5f: {  	_ =	shalt  }
0x60: {  	_ =	shalt  }
0x61: {  	_ =	shalt  }
0x62: {  	_ =	shalt  }
0x63: {  	_ =	shalt  }
0x64: {  	_ =	shalt  }
0x65: {  	_ =	shalt  }
0x66: {  	_ =	shalt  }
0x67: {  	_ =	shalt  }
0x68: {  	_ =	shalt  }
0x69: {  	_ =	shalt  }
0x6a: {  	_ =	shalt  }
0x6b: {  	_ =	shalt  }
0x6c: {  	_ =	shalt  }
0x6d: {  	_ =	shalt  }
0x6e: {  	_ =	shalt  }
0x6f: {  	_ =	shalt  }
0x70: {  	_ =	shalt  }
0x71: {  	_ =	shalt  }
0x72: {  	_ =	shalt  }
0x73: {  	_ =	shalt  }
0x74: {  	_ =	shalt  }
0x75: {  	_ =	shalt  }
0x76: {  	_ =	shalt  }
0x77: {  	_ =	shalt  }
0x78: {  	_ =	shalt  }
0x79: {  	_ =	shalt  }
0x7a: {  	_ =	shalt  }
0x7b: {  	_ =	shalt  }
0x7c: {  	_ =	shalt  }
0x7d: {  	_ =	shalt  }
0x7e: {  	_ =	shalt  }
0x7f: {  	_ =	shalt  }
0x80: {  	_ =	shalt  }
0x81: {  	_ =	shalt  }
0x82: {  	_ =	shalt  }
0x83: {  	_ =	shalt  }
0x84: {  	_ =	shalt  }
0x85: {  	_ =	shalt  }
0x86: {  	_ =	shalt  }
0x87: {  	_ =	shalt  }
.Lfunc_end0:
.L_simem_size_0:
called_computation.1_lowered:
.L_overlay_start_0:
0x88: {  	s2 =	sld [smem:$0x3FD9]  }
0x89: {  	s3 =	sld [smem:$0x3FFE];
	_ =	sdelay $0x1  }
0x8a: {  	s1 =	srdreg.scid  }
0x8b: {  	s0 =	sand.u32 $0x1, s1  }
0x8c: {  	s17 =	sshll.u32 s0, $0xA;
	s2 =	sadd.s32 s3, s2  }
0x8d: {  	s2 =	sadd.s32 s2, s17  }
0x8e: {  	[smem:$0x3FC6] =	sst s2  }
0x8f: {  	_ = 	snop  }
0x90: {  	s2 =	sld [smem:$0x3FD0];
	(tm) =	ssettm $0x1  }
0x91: {  	s18 =	sld [smem:$0x3FFB];
	_ =	sdelay $0x3  }
0x92: {  	_ =	strace s18  }
0x93: {  	s3 =	sld [smem:$0x3FFC];
	_ =	sdelay $0x3  }
0x94: {  	_ =	strace s3  }
0x95: {  	s3 =	sld [smem:$0x3FFD];
	_ =	sdelay $0x3  }
0x96: {  	_ =	strace s3  }
0x97: {  	_ =	strace $0x8FFFFFFF  }
0x98: {  	s19 =	sld [smem:$0x3FDB];
	_ =	sdelay $0x1  }
0x99: {  	s4 =	simm.s32 $_scs_section_size  }
0x9a: {  	s5 =	simm.s32 $_size__tile_overlayer_lowered;
	s6 =	simm.s32 $_tile_overlayer_lowered  }
0x9b: {  	s22 =	simm.s32 $0x1BFF;
	s21 =	sshll.u32 s6, $0x1;
	s3 =	sadd.s32 s4, s19  }
0x9c: {  	s7 =	simm.s32 $0x0;
	s20 =	sshll.u32 s5, $0x1;
	s5 =	sadd.s32 s21, s3  }
0x9d: {  	[timem:s7], [sflag:s22] =	dma.local [hbm:s5], s20  }
0x9e: {  	_ =	swait.ge [sflag:s22], s20  }
0x9f: {  	s4 =	ssub.s32 $0x0, s20;
	[sflag:s22] =	ssyncset.done $0x0  }
0xa0: {  	[sflag:s22] =	ssyncadd.s32 s4;
	_ =	sdelay $0x1  }
0xa1: {  	s23 =	simm.s32 $0x1B8B  }
0xa2: {  	_ =	swait.ge [sflag:s23], $0x1  }
0xa3: {  	[sflag:s23] =	ssyncset.done $0x0  }
0xa4: {  	s25 =	simm.s32 $0x1B8E;
	s24 =	sld [smem:$0x3FFE];
	[sflag:s23] =	ssyncadd.s32 $0xFFFFFFFF  }
0xa5: {  	s26 =	simm.s32 $execute0_lowered;
	[smem:$0x3FD2] =	sst s25  }
0xa6: {  	s5 =	sshll.u32 s26, $0x1;
	_ =	strace $0x80000046;
	[dreg:$0x1] =	wrdreg $0xFFFFFFFF  }
0xa7: {  	s28 =	simm.s32 $_size_execute0_lowered;
	s3 =	sadd.s32 s3, s5;
	[dreg:$0x0] =	wrdreg $0x0  }
0xa8: {  	s5 =	sshll.u32 s28, $0x1;
	[dreg:$0x2] =	wrdreg s3  }
0xa9: {  	[dreg:$0x3] =	wrdreg s5  }
0xaa: {  	[dreg:$0x4] =	wrdreg $0xC0  }
0xab: {  	_ =	task [dreg:s7], $0x5FFFF  }
0xac: {  	[dreg:$0x1] =	wrdreg $0xFFFFFFFF  }
0xad: {  	[dreg:$0x0] =	wrdreg $0x60  }
0xae: {  	[dreg:$0x2] =	wrdreg s24  }
0xaf: {  	[dreg:$0x3] =	wrdreg s2  }
0xb0: {  	[dreg:$0x4] =	wrdreg $0x9  }
0xb1: {  	_ =	task.clear_ibuf [dreg:s7], $0x5FFFF;
	_ =	strace $0x90000046  }
0xb2: {  	s29 =	simm.s32 $0x9;
	_ =	strace $0x80000048  }
0xb3: {  	_ =	swait.ge [sflag:s29], $0x1  }
0xb4: {  	[sflag:s29] =	ssyncadd.s32 $0xFFFFFFFF  }
0xb5: {  	_ =	strace $0x90000048  }
0xb6: {  	_ =	sfence  }
0xb7: {  	s30 =	sld [smem:$0x0];
	_ =	sdelay $0x2  }
0xb8: {  	s31 =	sshll.u32 s1, $0xD;
	s1 =	sshrl.u32 s1, $0x2  }
0xb9: {  	s3 =	sand.u32 $0x4000, s31;
	s1 =	sadd.s32 s1, s30  }
0xba: {  	s0 =	sor.u32 s3, s0;
	s1 =	sshll.u32 s1, $0x11  }
0xbb: {  	s0 =	sor.u32 s1, s0  }
0xbc: {  	s0 =	sadd.s32 $0x8F2B, s0  }
0xbd: {  	[sflag:s0] =	ssyncadd.remote.s32 $0x1  }
0xbe: {  	_ =	sfence.sel $0xFFFF  }
0xbf: {  	[dreg:$0x0] =	wrdreg $0xFFFFFFFF;
	(pc) =	sbr.abs _section_cstart, $3  }
0xc0: {  	[dreg:$0x1] =	wrdreg $0xFFFFFFFF  }
0xc1: {  	_ =	task.clear_ibuf [dreg:s7], $0x2FFFF;
	_ =	strace $0x9FFFFFFF  }
0xc2: {  	(tm) =	ssettm $0x7FFFFFFF  }
0xc3: {  	_ =	shalt  }
tec
execute0_lowered:
.L_overlay_start_1:
0x0: {  	(tag) =	ssettag $0x1  }
0x1: {  	s0 =	srdreg.scid  }
0x2: {  	s10 =	stileid.u32;
	s2 =	rddreg [dreg:$0x0]  }
0x3: {  	s3 =	simm.s32 $0x0;
	s17 =	simm.s32 $0xB;
	s18 =	simm.s32 $0x80  }
0x4: {  	s25 =	simm.s32 $0x13900;
	s28 =	simm.s32 $0x1;
	s30 =	simm.s32 $0x2  }
0x5: {  	s23 =	simm.s32 $0x5;
	s19 =	simm.s32 $0x8;
	s20 =	simm.s32 $0x9  }
0x6: {  	s22 =	simm.s32 $0xA;
	s21 =	simm.s32 $0x0;
	s5 =	smul.u32 $0x3200, s10  }
0x7: {  	s0 =	sand.u32 $0x1, s0;
	s1 =	sshll.u32 s10, $0x1;
	s31 =	smul.u32 $0x19000, s10  }
0x8: {  	[smem:$0x7FF] =	sst s3;
	s4 =	sadd.s32 $0xF43000, s2;
	s6 =	smul.u32 $0x1900, s0  }
0x9: {  	s1 =	sor.u32 s0, s1;
	s7 =	ssub.s32 $0x2, s0;
	s0 =	smul.u32 $0xC800, s0  }
0xa: {  	_ =	strace $0x80000047;
	s1 =	smul.u32 $0x1900, s1;
	s8 =	sshrl.u32 s7, $0x1  }
0xb: {  	s5 =	sadd.s32 s6, s5;
	s26 =	ssub.s32 s7, s8;
	s16 =	sadd.s32 s0, s31  }
0xc: {  	s6 =	simm.s32 $0x7;
	s1 =	sshrl.u32 s1, $0x3;
	s29 =	smax.u32 s26, $0x1  }
0xd: {  	s5 =	sshll.u32 s5, $0x3;
	s1 =	sadd.s32 s1, s2;
	[dreg:$0x4] =	wrdreg s29  }
.Ltmp0:
0xe: {  	s7 =	sadd.s32 $0x2400, s5;
	s8 =	sadd.s32 $0x2000, s5;
	(pc) =	sbr.rel .LBB2_1-.Ltmp0, $4  }
0xf: {  	s9 =	sadd.s32 $0x1C00, s5;
	s10 =	sadd.s32 $0x1800, s5;
	s11 =	sadd.s32 $0x1400, s5  }
0x10: {  	s12 =	sadd.s32 $0x1000, s5;
	s13 =	sadd.s32 $0xC00, s5;
	s14 =	sadd.s32 $0x800, s5  }
0x11: {  	s15 =	sor.u32 $0x400, s5;
	s2 =	simm.s32 $0x4;
	s1 =	sadd.s32 $0xA00, s1  }
0x12: {  	s5 =	simm.s32 $0x6;
	[dreg:$0x3] =	wrdreg s1;
	s1 =	simm.s32 $0x3  }
.LBB2_4:
0x13: {  	s21 =	rddreg [dreg:$0x5]  }
0x14: {  	s0 =	rddreg [dreg:$0x4];
	s21 =	sadd.s32 $0x1, s21  }
0x15: {  	p0 =	sne.s32 s21, s0  }
.Ltmp1:
0x16: {  	_ = 	snop;
	(pc) =	sbr.rel @!p0 .LBB2_5-.Ltmp1, $1  }
0x17: {  	_ =	sdelay $0x3  }
.LBB2_1:
0x18: {  	[dreg:$0x5] =	wrdreg s21  }
0x19: {  	s0 =	rddreg [dreg:$0x3]  }
0x1a: {  	[tilespmem:s3], [sflag:$0xB] =	stream.linear.gather [hbm4b:s0+s3], $0x1900, $0x38;
	[tilespmem:$0x15900] =	vst v63  }
0x1b: {  	_ =	swait.ge [sflag:s17], $0x1900  }
0x1c: {  	[sflag:s17] =	ssyncset.done $0x0  }
0x1d: {  	s24 =	simm.s32 $0x1900;
	[sflag:s17] =	ssyncadd.s32 $0xFFFFE700  }
0x1e: {  	[tilespmem:s24], [sflag:$0x1] =	stream.indirect.gather [hbm4b:s4+s18], $0x40, s3, s18, $0xb8;
	[tilespmem:$0x15900] =	vst v63  }
0x1f: {  	s26 =	simm.s32 $0x3900  }
0x20: {  	[tilespmem:s26], [sflag:$0x2] =	stream.indirect.gather [hbm4b:s4+s18], $0x40, s18, s18, $0xb8;
	[tilespmem:$0x15900] =	vst v63  }
0x21: {  	s29 =	simm.s32 $0x100;
	s31 =	simm.s32 $0x5900  }
0x22: {  	[tilespmem:s31], [sflag:$0x3] =	stream.indirect.gather [hbm4b:s4+s18], $0x40, s29, s18, $0xb8;
	[tilespmem:$0x15900] =	vst v63  }
0x23: {  	s24 =	simm.s32 $0x180;
	s26 =	simm.s32 $0x7900  }
0x24: {  	[tilespmem:s26], [sflag:$0x4] =	stream.indirect.gather [hbm4b:s4+s18], $0x40, s24, s18, $0xb8;
	[tilespmem:$0x15900] =	vst v63  }
0x25: {  	s29 =	simm.s32 $0x200;
	s31 =	simm.s32 $0x9900  }
0x26: {  	[tilespmem:s31], [sflag:$0x5] =	stream.indirect.gather [hbm4b:s4+s18], $0x40, s29, s18, $0xb8;
	[tilespmem:$0x15900] =	vst v63  }
0x27: {  	s24 =	simm.s32 $0x280;
	s26 =	simm.s32 $0xB900  }
0x28: {  	[tilespmem:s26], [sflag:$0x6] =	stream.indirect.gather [hbm4b:s4+s18], $0x40, s24, s18, $0xb8;
	[tilespmem:$0x15900] =	vst v63  }
0x29: {  	s29 =	simm.s32 $0x300;
	s31 =	simm.s32 $0xD900  }
0x2a: {  	[tilespmem:s31], [sflag:$0x7] =	stream.indirect.gather [hbm4b:s4+s18], $0x40, s29, s18, $0xb8;
	[tilespmem:$0x15900] =	vst v63  }
0x2b: {  	s21 =	simm.s32 $0x380;
	s24 =	simm.s32 $0xF900  }
0x2c: {  	[tilespmem:s24], [sflag:$0x8] =	stream.indirect.gather [hbm4b:s4+s18], $0x40, s21, s18, $0xb8;
	[tilespmem:$0x15900] =	vst v63  }
0x2d: {  	s26 =	simm.s32 $0x400;
	s29 =	simm.s32 $0x11900  }
0x2e: {  	[tilespmem:s29], [sflag:$0x9] =	stream.indirect.gather [hbm4b:s4+s18], $0x40, s26, s18, $0xb8;
	[tilespmem:$0x15900] =	vst v63  }
0x2f: {  	s31 =	simm.s32 $0x480;
	s24 =	rddreg [dreg:$0x1];
	s26 =	simm.s32 $0x0  }
0x30: {  	[tilespmem:s25], [sflag:$0xA] =	stream.indirect.gather [hbm4b:s4+s18], $0x40, s31, s18, $0xb8;
	[tilespmem:$0x15900] =	vst v63  }
.LBB2_2:
0x31: {  	_ =	swait.ge [sflag:s28], $0x2000  }
0x32: {  	[sflag:s28] =	ssyncset.done $0x0  }
0x33: {  	s29 =	sadd.s32 s24, s16;
	s0 =	simm.s32 $0x1900;
	[sflag:s28] =	ssyncadd.s32 $0xFFFFE000  }
0x34: {  	[hbm4b:s29+s3] =	stream.linear.scatter [tilespmem:s0], [sflag:$0xB], $0x2000, $0x38;
	[tilespmem:$0x15900] =	vst v63  }
0x35: {  	p0 =	seq.s32 s26, $0x5000;
	_ =	swait.ge [sflag:s17], $0x2000  }
0x36: {  	s31 =	simm.s32 @!p0 $0x80;
	s29 =	sshra.s32 @!p0 s26, $0x2;
	[sflag:s17] =	ssyncset.done $0x0  }
0x37: {  	s21 =	simm.s32 @!p0 $0x1900;
	s0 =	sadd.s32 @!p0 $0x500, s29;
	[sflag:s17] =	ssyncadd.s32 $0xFFFFE000  }
0x38: {  	[tilespmem:s21], [sflag:$0x1] =	stream.indirect.gather @!p0 [hbm4b:s4+s31], $0x40, s0, s31, $0xb8;
	[tilespmem:$0x15900] =	vst v63  }
0x39: {  	_ =	swait.ge [sflag:s30], $0x2000  }
0x3a: {  	[sflag:s30] =	ssyncset.done $0x0  }
0x3b: {  	s0 =	sadd.s32 s24, s15;
	s21 =	simm.s32 $0x3900;
	[sflag:s30] =	ssyncadd.s32 $0xFFFFE000  }
0x3c: {  	[hbm4b:s0+s3] =	stream.linear.scatter [tilespmem:s21], [sflag:$0xB], $0x2000, $0x38;
	[tilespmem:$0x15900] =	vst v63  }
0x3d: {  	_ =	swait.ge [sflag:s17], $0x2000  }
0x3e: {  	[sflag:s17] =	ssyncset.done $0x0  }
0x3f: {  	s0 =	sadd.s32 @!p0 $0x580, s29;
	s21 =	simm.s32 @!p0 $0x3900;
	[sflag:s17] =	ssyncadd.s32 $0xFFFFE000  }
0x40: {  	[tilespmem:s21], [sflag:$0x2] =	stream.indirect.gather @!p0 [hbm4b:s4+s31], $0x40, s0, s31, $0xb8;
	[tilespmem:$0x15900] =	vst v63  }
0x41: {  	_ =	swait.ge [sflag:s1], $0x2000  }
0x42: {  	[sflag:s1] =	ssyncset.done $0x0  }
0x43: {  	s0 =	sadd.s32 s24, s14;
	s21 =	simm.s32 $0x5900;
	[sflag:s1] =	ssyncadd.s32 $0xFFFFE000  }
0x44: {  	[hbm4b:s0+s3] =	stream.linear.scatter [tilespmem:s21], [sflag:$0xB], $0x2000, $0x38;
	[tilespmem:$0x15900] =	vst v63  }
0x45: {  	_ =	swait.ge [sflag:s17], $0x2000  }
0x46: {  	[sflag:s17] =	ssyncset.done $0x0  }
0x47: {  	s0 =	sadd.s32 @!p0 $0x600, s29;
	s21 =	simm.s32 @!p0 $0x5900;
	[sflag:s17] =	ssyncadd.s32 $0xFFFFE000  }
0x48: {  	[tilespmem:s21], [sflag:$0x3] =	stream.indirect.gather @!p0 [hbm4b:s4+s31], $0x40, s0, s31, $0xb8;
	[tilespmem:$0x15900] =	vst v63  }
0x49: {  	_ =	swait.ge [sflag:s2], $0x2000  }
0x4a: {  	[sflag:s2] =	ssyncset.done $0x0  }
0x4b: {  	s0 =	sadd.s32 s24, s13;
	s21 =	simm.s32 $0x7900;
	[sflag:s2] =	ssyncadd.s32 $0xFFFFE000  }
0x4c: {  	[hbm4b:s0+s3] =	stream.linear.scatter [tilespmem:s21], [sflag:$0xB], $0x2000, $0x38;
	[tilespmem:$0x15900] =	vst v63  }
0x4d: {  	_ =	swait.ge [sflag:s17], $0x2000  }
0x4e: {  	[sflag:s17] =	ssyncset.done $0x0  }
0x4f: {  	s0 =	sadd.s32 @!p0 $0x680, s29;
	s21 =	simm.s32 @!p0 $0x7900;
	[sflag:s17] =	ssyncadd.s32 $0xFFFFE000  }
0x50: {  	[tilespmem:s21], [sflag:$0x4] =	stream.indirect.gather @!p0 [hbm4b:s4+s31], $0x40, s0, s31, $0xb8;
	[tilespmem:$0x15900] =	vst v63  }
0x51: {  	_ =	swait.ge [sflag:s23], $0x2000  }
0x52: {  	[sflag:s23] =	ssyncset.done $0x0  }
0x53: {  	s0 =	sadd.s32 s24, s12;
	s21 =	simm.s32 $0x9900;
	[sflag:s23] =	ssyncadd.s32 $0xFFFFE000  }
0x54: {  	[hbm4b:s0+s3] =	stream.linear.scatter [tilespmem:s21], [sflag:$0xB], $0x2000, $0x38;
	[tilespmem:$0x15900] =	vst v63  }
0x55: {  	_ =	swait.ge [sflag:s17], $0x2000  }
0x56: {  	[sflag:s17] =	ssyncset.done $0x0  }
0x57: {  	s0 =	sadd.s32 @!p0 $0x700, s29;
	s21 =	simm.s32 @!p0 $0x9900;
	[sflag:s17] =	ssyncadd.s32 $0xFFFFE000  }
0x58: {  	[tilespmem:s21], [sflag:$0x5] =	stream.indirect.gather @!p0 [hbm4b:s4+s31], $0x40, s0, s31, $0xb8;
	[tilespmem:$0x15900] =	vst v63  }
0x59: {  	_ =	swait.ge [sflag:s5], $0x2000  }
0x5a: {  	[sflag:s5] =	ssyncset.done $0x0  }
0x5b: {  	s0 =	sadd.s32 s24, s11;
	s21 =	simm.s32 $0xB900;
	[sflag:s5] =	ssyncadd.s32 $0xFFFFE000  }
0x5c: {  	[hbm4b:s0+s3] =	stream.linear.scatter [tilespmem:s21], [sflag:$0xB], $0x2000, $0x38;
	[tilespmem:$0x15900] =	vst v63  }
0x5d: {  	_ =	swait.ge [sflag:s17], $0x2000  }
0x5e: {  	[sflag:s17] =	ssyncset.done $0x0  }
0x5f: {  	s0 =	sadd.s32 @!p0 $0x780, s29;
	s21 =	simm.s32 @!p0 $0xB900;
	[sflag:s17] =	ssyncadd.s32 $0xFFFFE000  }
0x60: {  	[tilespmem:s21], [sflag:$0x6] =	stream.indirect.gather @!p0 [hbm4b:s4+s31], $0x40, s0, s31, $0xb8;
	[tilespmem:$0x15900] =	vst v63  }
0x61: {  	_ =	swait.ge [sflag:s6], $0x2000  }
0x62: {  	[sflag:s6] =	ssyncset.done $0x0  }
0x63: {  	s0 =	sadd.s32 s24, s10;
	s21 =	simm.s32 $0xD900;
	[sflag:s6] =	ssyncadd.s32 $0xFFFFE000  }
0x64: {  	[hbm4b:s0+s3] =	stream.linear.scatter [tilespmem:s21], [sflag:$0xB], $0x2000, $0x38;
	[tilespmem:$0x15900] =	vst v63  }
0x65: {  	_ =	swait.ge [sflag:s17], $0x2000  }
0x66: {  	[sflag:s17] =	ssyncset.done $0x0  }
0x67: {  	s0 =	sadd.s32 @!p0 $0x800, s29;
	s21 =	simm.s32 @!p0 $0xD900;
	[sflag:s17] =	ssyncadd.s32 $0xFFFFE000  }
0x68: {  	[tilespmem:s21], [sflag:$0x7] =	stream.indirect.gather @!p0 [hbm4b:s4+s31], $0x40, s0, s31, $0xb8;
	[tilespmem:$0x15900] =	vst v63  }
0x69: {  	_ =	swait.ge [sflag:s19], $0x2000  }
0x6a: {  	[sflag:s19] =	ssyncset.done $0x0  }
0x6b: {  	s0 =	sadd.s32 s24, s9;
	s21 =	simm.s32 $0xF900;
	[sflag:s19] =	ssyncadd.s32 $0xFFFFE000  }
0x6c: {  	[hbm4b:s0+s3] =	stream.linear.scatter [tilespmem:s21], [sflag:$0xB], $0x2000, $0x38;
	[tilespmem:$0x15900] =	vst v63  }
0x6d: {  	_ =	swait.ge [sflag:s17], $0x2000  }
0x6e: {  	[sflag:s17] =	ssyncset.done $0x0  }
0x6f: {  	s0 =	sadd.s32 @!p0 $0x880, s29;
	s21 =	simm.s32 @!p0 $0xF900;
	[sflag:s17] =	ssyncadd.s32 $0xFFFFE000  }
0x70: {  	[tilespmem:s21], [sflag:$0x8] =	stream.indirect.gather @!p0 [hbm4b:s4+s31], $0x40, s0, s31, $0xb8;
	[tilespmem:$0x15900] =	vst v63  }
0x71: {  	_ =	swait.ge [sflag:s20], $0x2000  }
0x72: {  	[sflag:s20] =	ssyncset.done $0x0  }
0x73: {  	s0 =	sadd.s32 s24, s8;
	s21 =	simm.s32 $0x11900;
	[sflag:s20] =	ssyncadd.s32 $0xFFFFE000  }
0x74: {  	[hbm4b:s0+s3] =	stream.linear.scatter [tilespmem:s21], [sflag:$0xB], $0x2000, $0x38;
	[tilespmem:$0x15900] =	vst v63  }
0x75: {  	_ =	swait.ge [sflag:s17], $0x2000  }
0x76: {  	[sflag:s17] =	ssyncset.done $0x0  }
0x77: {  	s0 =	sadd.s32 @!p0 $0x900, s29;
	s21 =	simm.s32 @!p0 $0x11900;
	[sflag:s17] =	ssyncadd.s32 $0xFFFFE000  }
0x78: {  	[tilespmem:s21], [sflag:$0x9] =	stream.indirect.gather @!p0 [hbm4b:s4+s31], $0x40, s0, s31, $0xb8;
	[tilespmem:$0x15900] =	vst v63  }
0x79: {  	_ =	swait.ge [sflag:s22], $0x2000  }
0x7a: {  	[sflag:s22] =	ssyncset.done $0x0  }
.Ltmp2:
0x7b: {  	s31 =	sadd.s32 s24, s7;
	[sflag:s22] =	ssyncadd.s32 $0xFFFFE000;
	(pc) =	sbr.rel @p0 .LBB2_4-.Ltmp2, $4  }
0x7c: {  	[hbm4b:s31+s3] =	stream.linear.scatter [tilespmem:s25], [sflag:$0xB], $0x2000, $0x38;
	[tilespmem:$0x15900] =	vst v63  }
0x7d: {  	_ =	swait.ge [sflag:s17], $0x2000  }
0x7e: {  	[sflag:s17] =	ssyncset.done $0x0  }
0x7f: {  	[sflag:s17] =	ssyncadd.s32 $0xFFFFE000  }
.Ltmp3:
0x80: {  	(pc) =	sbr.rel .LBB2_2-.Ltmp3, $4  }
0x81: {  	_ = 	snop  }
0x82: {  	s0 =	sshra.s32 s26, $0x2  }
0x83: {  	s26 =	sadd.s32 $0x1400, s26;
	s24 =	sadd.s32 $0x2800, s24;
	s0 =	sadd.s32 $0x980, s0  }
0x84: {  	[tilespmem:s25], [sflag:$0xA] =	stream.indirect.gather [hbm4b:s4+s18], $0x40, s0, s18, $0xb8;
	[tilespmem:$0x15900] =	vst v63  }
.LBB2_5:
0x85: {  	_ =	sfence.sel $0x180000  }
0x86: {  	[bflag:$0x0] =	sbarrier.arrive $0xFFFF  }
0x87: {  	_ =	strace $0x90000047  }
0x88: {  	s0 =	stileid.u32;
	[bflag:$0x2] =	sbarrier.arrive $0xFFFF  }
0x89: {  	p0 =	sne.s32 s0, $0x0;
	s0 =	rddreg [dreg:$0x2]  }
0x8a: {  	s0 =	sadd.s32 @!p0 $0x100000, s0  }
0x8b: {  	[sflag:s0] =	ssyncadd.tile.s32 @!p0 $0x1;
	_ =	shalt  }
.Lfunc_end2:
_tile_overlayer_lowered:
.L_overlay_start_2:
0x8c: {  	(tag) =	ssettag $0x2  }
0x8d: {  	s0 =	rddreg [dreg:$0x0];
	s2 =	stileid.u32  }
0x8e: {  	s1 =	rddreg [dreg:$0x1];
	p0 =	sne.s32 s2, $0x0  }
0x8f: {  	s3 =	rddreg [dreg:$0x2];
	[bflag:$0x3] =	sbarrier.arrive $0xFFFF;
	s2 =	simm.s32 @!p0 $0x1C0B  }
0x90: {  	[timem:s3], [sflag:s2] =	dma.local @!p0 [hbm:s0], s1  }
0x91: {  	s0 =	simm.s32 @!p0 $0xB  }
0x92: {  	_ =	swait.ge @!p0 [sflag:s0], s1  }
0x93: {  	s1 =	ssub.s32 @!p0 $0x0, s1;
	[sflag:s0] =	ssyncset.done @!p0 $0x0  }
0x94: {  	[sflag:s0] =	ssyncadd.s32 @!p0 s1  }
0x95: {  	[bflag:$0x3] =	sbarrier.arrive $0xFFFF  }
0x96: {  	_ =	shalt  }

// kernel: sparse-core-data-format-call.cloned.1.call-start
scs
called_computation_lowered:
.L_overlay_start_0:
0x0: {  	s2 =	sld [smem:$0x3FD9]  }
0x1: {  	s3 =	sld [smem:$0x3FFE];
	_ =	sdelay $0x1  }
0x2: {  	s1 =	srdreg.scid  }
0x3: {  	s0 =	sand.u32 $0x1, s1  }
0x4: {  	s18 =	sshll.u32 s0, $0xA;
	s2 =	sadd.s32 s3, s2  }
0x5: {  	s2 =	sadd.s32 s2, s18  }
0x6: {  	[smem:$0x3FC6] =	sst s2  }
0x7: {  	_ = 	snop  }
0x8: {  	s2 =	sld [smem:$0x3FD0];
	(tm) =	ssettm $0x1  }
0x9: {  	s19 =	sld [smem:$0x3FFB];
	_ =	sdelay $0x3  }
0xa: {  	_ =	strace s19  }
0xb: {  	s3 =	sld [smem:$0x3FFC];
	_ =	sdelay $0x3  }
0xc: {  	_ =	strace s3  }
0xd: {  	s3 =	sld [smem:$0x3FFD];
	_ =	sdelay $0x3  }
0xe: {  	_ =	strace s3  }
0xf: {  	_ =	strace $0x8FFFFFFF  }
0x10: {  	s20 =	sld [smem:$0x3FDB];
	_ =	sdelay $0x1  }
0x11: {  	s4 =	simm.s32 $_scs_section_size  }
0x12: {  	s5 =	simm.s32 $_size__tile_overlayer_lowered;
	s6 =	simm.s32 $_tile_overlayer_lowered  }
0x13: {  	s23 =	simm.s32 $0x1BFF;
	s22 =	sshll.u32 s6, $0x1;
	s3 =	sadd.s32 s4, s20  }
0x14: {  	s7 =	simm.s32 $0x0;
	s21 =	sshll.u32 s5, $0x1;
	s5 =	sadd.s32 s22, s3  }
0x15: {  	[timem:s7], [sflag:s23] =	dma.local [hbm:s5], s21  }
0x16: {  	_ =	swait.ge [sflag:s23], s21  }
0x17: {  	s4 =	ssub.s32 $0x0, s21;
	[sflag:s23] =	ssyncset.done $0x0  }
0x18: {  	[sflag:s23] =	ssyncadd.s32 s4;
	_ =	sdelay $0x1  }
0x19: {  	s24 =	simm.s32 $0x1B8B  }
0x1a: {  	_ =	swait.ge [sflag:s24], $0x1  }
0x1b: {  	[sflag:s24] =	ssyncset.done $0x0  }
0x1c: {  	s26 =	simm.s32 $0x1B8E;
	s25 =	sld [smem:$0x3FFE];
	[sflag:s24] =	ssyncadd.s32 $0xFFFFFFFF  }
0x1d: {  	s27 =	simm.s32 $execute0_lowered;
	[smem:$0x3FD2] =	sst s26  }
0x1e: {  	s5 =	sshll.u32 s27, $0x1;
	_ =	strace $0x80000049;
	[dreg:$0x1] =	wrdreg $0xFFFFFFFF  }
0x1f: {  	s28 =	simm.s32 $_size_execute0_lowered;
	s3 =	sadd.s32 s3, s5;
	[dreg:$0x0] =	wrdreg $0x0  }
0x20: {  	s5 =	sshll.u32 s28, $0x1;
	[dreg:$0x2] =	wrdreg s3  }
0x21: {  	[dreg:$0x3] =	wrdreg s5  }
0x22: {  	[dreg:$0x4] =	wrdreg $0xC0  }
0x23: {  	_ =	task [dreg:s7], $0x5FFFF  }
0x24: {  	[dreg:$0x1] =	wrdreg $0xFFFFFFFF  }
0x25: {  	[dreg:$0x0] =	wrdreg $0x60  }
0x26: {  	[dreg:$0x2] =	wrdreg s25  }
0x27: {  	[dreg:$0x3] =	wrdreg s2  }
0x28: {  	[dreg:$0x4] =	wrdreg $0x9  }
0x29: {  	_ =	task.clear_ibuf [dreg:s7], $0x5FFFF;
	_ =	strace $0x90000049  }
0x2a: {  	s29 =	simm.s32 $0x9;
	_ =	strace $0x8000004B  }
0x2b: {  	_ =	swait.ge [sflag:s29], $0x1  }
0x2c: {  	[sflag:s29] =	ssyncadd.s32 $0xFFFFFFFF  }
0x2d: {  	_ =	strace $0x9000004B  }
0x2e: {  	_ =	sfence  }
0x2f: {  	s30 =	sld [smem:$0x0];
	_ =	sdelay $0x2  }
0x30: {  	s31 =	sshll.u32 s1, $0xD;
	s1 =	sshrl.u32 s1, $0x2  }
0x31: {  	s3 =	sand.u32 $0x4000, s31;
	s1 =	sadd.s32 s1, s30  }
0x32: {  	s0 =	sor.u32 s3, s0;
	s1 =	sshll.u32 s1, $0x11  }
0x33: {  	s0 =	sor.u32 s1, s0  }
0x34: {  	s0 =	sadd.s32 $0x8F2B, s0  }
0x35: {  	[sflag:s0] =	ssyncadd.remote.s32 $0x1  }
0x36: {  	_ =	sfence.sel $0xFFFF  }
0x37: {  	[dreg:$0x0] =	wrdreg $0xFFFFFFFF;
	(pc) =	sbr.abs _section_cstart, $3  }
0x38: {  	[dreg:$0x1] =	wrdreg $0xFFFFFFFF  }
0x39: {  	_ =	task.clear_ibuf [dreg:s7], $0x2FFFF;
	_ =	strace $0x9FFFFFFF  }
0x3a: {  	(tm) =	ssettm $0x7FFFFFFF  }
0x3b: {  	_ =	shalt  }
tec
execute0_lowered:
.L_overlay_start_1:
0x0: {  	(tag) =	ssettag $0x1  }
0x1: {  	s0 =	srdreg.scid  }
0x2: {  	s1 =	sshll.u32 s0, $0x4  }
0x3: {  	s0 =	stileid.u32;
	s1 =	sand.u32 $0x10, s1  }
0x4: {  	s1 =	sor.u32 s0, s1  }
0x5: {  	s6 =	rddreg [dreg:$0x0];
	s4 =	simm.s32 $0x1;
	s2 =	sshll.u32 s1, $0x7  }
0x6: {  	s7 =	simm.s32 $0x2;
	s12 =	simm.s32 $0x0;
	s1 =	ssub.s32 $0x1000, s2  }
0x7: {  	s8 =	simm.s32 $0x8000;
	s13 =	simm.s32 $0x0;
	s3 =	sand.u32 $0xF80, s1  }
0x8: {  	s9 =	simm.s32 $0x0;
	s5 =	sshrl.u32 s1, $0xC;
	p0 =	sne.s32 s3, $0x0  }
.Ltmp0:
0x9: {  	s1 =	rddreg [dreg:$0x2];
	s4 =	simm.s32 @!p0 $0x0;
	(pc) =	sbr.rel .LBB1_1-.Ltmp0, $4  }
0xa: {  	s11 =	simm.s32 $0x0;
	s3 =	rddreg [dreg:$0x1];
	s5 =	sadd.s32 s4, s5  }
0xb: {  	_ =	strace $0x8000004A;
	s4 =	simm.s32 $0x1;
	s5 =	smul.u32 $0x32, s5  }
0xc: {  	s6 =	sadd.s32 $0xA00, s6;
	s10 =	smov.u32 s2;
	[sflag:s4] =	ssyncpa.u1 $0x0  }
0xd: {  	p0 =	por $0x0, $0x0;
	[sflag:s7] =	ssyncpa.u1 $0x0;
	s7 =	sor.u32 $0x1, s5  }
.LBB1_4:
0xe: {  	s16 =	sshll.u32 s13, $0x3;
	s17 =	sand.u32 $0x78, s13  }
0xf: {  	s30 =	sand.u32 $0x7E00, s13;
	s12 =	sshll.u32 s12, $0xF;
	s16 =	sand.u32 $0xC00, s16  }
0x10: {  	[tilespmem:s15+$0x810 ss:$0x81] =	vst.msk $0xffff, v2;
	s31 =	sand.u32 $0x7, s13;
	s16 =	sor.u32 s17, s16;
	s17 =	sadd.s32 s3, s30  }
0x11: {  	[tilespmem:s15+$0x1020 ss:$0x81] =	vst.msk $0xffff, v0;
	s13 =	sshll.u32 s31, $0x12;
	s12 =	sadd.s32 s12, s17;
	s16 =	sshrl.u32 s16, $0x3  }
0x12: {  	[tilespmem:s15+$0x0 ss:$0x81] =	vst.msk $0xffff, v1;
	s13 =	sor.u32 $0x400, s13;
	s12 =	sadd.s32 s16, s12  }
0x13: {  	[hbm4b:s12+s13] =	stream.strided.scatter [tilespmem:s14], [sflag:$0x2], $0x2000, s8, s13, $0x20;
	[tilespmem:$0x8080] =	vst v63  }
.LBB1_5:
0x14: {  	s14 =	sadd.s32 $0x1, s9  }
0x15: {  	s12 =	sadd.s32 $0x1000, s10;
	s16 =	smov.u32 s10;
	p2 =	sgt.s32 s14, $0x31  }
0x16: {  	s16 =	smov.u32 @p2 s12  }
0x17: {  	s14 =	simm.s32 @p2 $0x0;
	p2 =	sgt.s32 s16, $0xFFF  }
0x18: {  	s16 =	smov.u32 @p2 s2;
	p2 =	sne.s32 s11, s7  }
.Ltmp1:
0x19: {  	p1 =	slt.u32 s11, $0x2;
	(pc) =	sbr.rel @!p2 .LBB1_6-.Ltmp1, $4  }
0x1a: {  	s15 =	simm.s32 @!p1 $0x2  }
0x1b: {  	s13 =	smov.u32 s10;
	p0 =	por !p0, !p0;
	_ =	swait.ge @!p1 [sflag:s15], $0x2000  }
0x1c: {  	s12 =	smov.u32 s9;
	[sflag:s15] =	ssyncset.done @!p1 $0x0;
	s9 =	smov.u32 s14  }
0x1d: {  	s11 =	sadd.s32 $0x1, s11;
	[sflag:s15] =	ssyncadd.s32 @!p1 $0xFFFFE000;
	s10 =	smov.u32 s16  }
.LBB1_1:
0x1e: {  	p1 =	sge.u32 s11, s5  }
0x1f: {  	s14 =	sand.u32 @!p1 $0x1FFFFFF, s9  }
0x20: {  	s15 =	smulhi.u32 @!p1 $0x4924925, s14;
	_ =	sdelay $0x1  }
0x21: {  	s15 =	smul.u32 @!p1 $0x38, s15  }
0x22: {  	s16 =	sxor.u32 @!p1 $0xFFFFFFFF, s11;
	s17 =	smul.u32 @!p1 $0x380, s10  }
0x23: {  	s31 =	sadd.s32 $0xFFFFFFFF, s11;
	s16 =	sshll.u32 @!p1 s16, $0xD;
	s14 =	ssub.s32 @!p1 s14, s15  }
0x24: {  	s15 =	sand.u32 @!p1 $0x2000, s16;
	s16 =	sadd.s32 @!p1 s6, s17;
	s14 =	sshll.u32 @!p1 s14, $0x4  }
0x25: {  	s17 =	simm.s32 @!p1 $0x1C00;
	s14 =	sadd.s32 @!p1 s14, s16;
	s16 =	simm.s32 @!p1 $0x40  }
0x26: {  	[tilespmem:s15], [sflag:$0x1] =	stream.strided.gather @!p1 [hbm4b:s14+s16], $0x2000, s17, s16, $0x38;
	[tilespmem:$0x8080] =	vst v63  }
0x27: {  	p1 =	sge.u32 s31, s5  }
.Ltmp2:
0x28: {  	_ = 	snop;
	(pc) =	sbr.rel @p1 .LBB1_5-.Ltmp2, $1  }
0x29: {  	_ =	sdelay $0x3  }
0x2a: {  	s14 =	simm.s32 $0x1  }
0x2b: {  	_ =	swait.ge [sflag:s4], $0x2000;
	s14 =	simm.s32 @!p0 $0x0  }
0x2c: {  	[sflag:s4] =	ssyncset.done $0x0;
	s15 =	sshll.u32 s14, $0xD  }
0x2d: {  	[sflag:s4] =	ssyncadd.s32 $0xFFFFE000;
	s18 =	sor.u32 $0x20, s15  }
0x2e: {  	s14 =	smul.u32 $0x8100, s14;
	v3 =	vld [tilespmem:s18+$0x10]  }
0x2f: {  	s30 =	sand.u32 $0x1, s11;
	v2 =	vld [tilespmem:s18+$0xFFFFFFF0]  }
0x30: {  	s15 =	smul.u32 $0x8100, s30;
	s14 =	sshrl.u32 s14, $0x2;
	v0 =	vld [tilespmem:s18+$0x0]  }
0x31: {  	v1 =	vld [tilespmem:s18+$0xFFFFFFE0];
	s16 =	sor.u32 $0x4000, s14  }
0x32: {  	s31 =	sshrl.u32 s15, $0x2;
	s15 =	sadd.s32 $0x0, s16  }
0x33: {  	s17 =	simm.s32 $0x4;
	s18 =	sadd.s32 $0x40, s18;
	s14 =	sor.u32 $0x4000, s31;
	[tilespmem:s15+$0x1830 ss:$0x81] =	vst.msk $0xffff, v3  }
.LBB1_3:
0x34: {  	v3 =	vld [tilespmem:s18+$0x10];
	p1 =	sne.s32 s17, $0x1FC;
	[tilespmem:s15+$0x810 ss:$0x81] =	vst.msk $0xffff, v2;
	s19 =	smov.u32 s17;
	s17 =	sadd.s32 $0x4, s17  }
.Ltmp3:
0x35: {  	v2 =	vld [tilespmem:s18+$0xFFFFFFF0];
	[tilespmem:s15+$0x1020 ss:$0x81] =	vst.msk $0xffff, v0;
	(pc) =	sbr.rel @p1 .LBB1_3-.Ltmp3, $4  }
0x36: {  	v0 =	vld [tilespmem:s18+$0x0];
	[tilespmem:s15+$0x0 ss:$0x81] =	vst.msk $0xffff, v1  }
0x37: {  	s15 =	sshra.s32 s19, $0x2;
	v1 =	vld [tilespmem:s18+$0xFFFFFFE0]  }
0x38: {  	s15 =	sadd.s32 s15, s16  }
0x39: {  	s18 =	sadd.s32 $0x40, s18;
	[tilespmem:s15+$0x1830 ss:$0x81] =	vst.msk $0xffff, v3  }
.Ltmp4:
0x3a: {  	_ = 	snop;
	(pc) =	sbr.rel .LBB1_4-.Ltmp4, $1  }
0x3b: {  	_ =	sdelay $0x3  }
.LBB1_6:
0x3c: {  	_ =	sfence.sel $0x180000  }
0x3d: {  	s2 =	simm.s32 $0x1;
	[bflag:$0x0] =	sbarrier.arrive $0xFFFF  }
0x3e: {  	s31 =	simm.s32 $0x2;
	[sflag:s2] =	ssyncpa.u1 $0x1  }
0x3f: {  	[sflag:s31] =	ssyncpa.u1 $0x1  }
0x40: {  	p0 =	sne.s32 s0, $0x0;
	_ =	strace $0x9000004A  }
0x41: {  	s0 =	sadd.s32 @!p0 $0x100000, s1;
	[bflag:$0x2] =	sbarrier.arrive $0xFFFF  }
0x42: {  	[sflag:s0] =	ssyncadd.tile.s32 @!p0 $0x1;
	_ =	shalt  }
.Lfunc_end1:
_tile_overlayer_lowered:
.L_overlay_start_2:
0x43: {  	(tag) =	ssettag $0x2  }
0x44: {  	s0 =	rddreg [dreg:$0x0];
	s2 =	stileid.u32  }
0x45: {  	s1 =	rddreg [dreg:$0x1];
	p0 =	sne.s32 s2, $0x0  }
0x46: {  	s3 =	rddreg [dreg:$0x2];
	[bflag:$0x3] =	sbarrier.arrive $0xFFFF;
	s2 =	simm.s32 @!p0 $0x1C01  }
0x47: {  	[timem:s3], [sflag:s2] =	dma.local @!p0 [hbm:s0], s1  }
0x48: {  	s0 =	simm.s32 @!p0 $0x1  }
0x49: {  	_ =	swait.ge @!p0 [sflag:s0], s1  }
0x4a: {  	s1 =	ssub.s32 @!p0 $0x0, s1;
	[sflag:s0] =	ssyncset.done @!p0 $0x0  }
0x4b: {  	[sflag:s0] =	ssyncadd.s32 @!p0 s1  }
0x4c: {  	[bflag:$0x3] =	sbarrier.arrive $0xFFFF  }
0x4d: {  	_ =	shalt  }

</sc_bundles>
